<compile_context>
chip_gen: v7x
topology: tpu7x:2x2x1
jax: 0.10.2.dev20260603
libtpu: 0.0.44.dev20260713+nightly
codegen_flags: <defaults>
</compile_context>

<pallas_src>
import functools

import jax
import jax.numpy as jnp
from jax import lax
from jax.experimental import pallas as pl
from jax.experimental.pallas import tpu as pltpu
from jax.experimental.pallas import tpu_sc as plsc

_NC = 2
_NS = 16
_K = 80


def _seg_sum_sc(h, src, dst):
    N, D = h.shape
    E = src.shape[0]
    NW = _NC * _NS
    Et = E // NW
    NB = Et // _K
    RPT = (N // _NS) // 8 * 8
    TAIL = N - RPT * _NS
    ZR = RPT // 2

    mesh = plsc.VectorSubcoreMesh(core_axis_name="c", subcore_axis_name="s")

    @functools.partial(
        pl.kernel,
        mesh=mesh,
        out_type=jax.ShapeDtypeStruct((_NC, N, D), jnp.float32),
        scratch_types=[
            pltpu.VMEM_SHARED((N, D), jnp.float32),
            pltpu.VMEM((ZR, D), jnp.float32),
            pltpu.VMEM((_K,), jnp.int32),
            pltpu.VMEM((_K,), jnp.int32),
            pltpu.VMEM((_K, D), jnp.float32),
            pltpu.SemaphoreType.DMA,
        ],
    )
    def seg_kernel(h_hbm, src_hbm, dst_hbm, out_hbm, acc, zbuf, idx_s, idx_d,
                   rows, sem):
        c = lax.axis_index("c")
        s = lax.axis_index("s")
        tid = c * _NS + s

        zv = jnp.zeros((16,), jnp.float32)

        def zrow(i, carry):
            def zcol(j, carry2):
                zbuf[i, pl.ds(j * 16, 16)] = zv
                return carry2
            return lax.fori_loop(0, D // 16, zcol, carry)
        lax.fori_loop(0, ZR, zrow, 0)

        def zcopy(k, carry):
            pltpu.sync_copy(zbuf, acc.at[pl.ds(s * RPT + k * ZR, ZR)])
            return carry
        lax.fori_loop(0, RPT // ZR, zcopy, 0)

        @pl.when(s == 0)
        def _():
            pltpu.sync_copy(zbuf.at[pl.ds(0, TAIL)],
                            acc.at[pl.ds(_NS * RPT, TAIL)])
        plsc.subcore_barrier()

        base = tid * Et

        def body(b, carry):
            off = base + b * _K
            pltpu.sync_copy(src_hbm.at[pl.ds(off, _K)], idx_s)
            pltpu.sync_copy(dst_hbm.at[pl.ds(off, _K)], idx_d)
            pltpu.async_copy(h_hbm.at[idx_s], rows, sem).wait()
            pltpu.sync_copy(rows, acc.at[idx_d], add=True)
            return carry
        lax.fori_loop(0, NB, body, 0)
        plsc.subcore_barrier()

        pltpu.sync_copy(acc.at[pl.ds(s * RPT, RPT)],
                        out_hbm.at[c, pl.ds(s * RPT, RPT)])

        @pl.when(s == 0)
        def _():
            pltpu.sync_copy(acc.at[pl.ds(_NS * RPT, TAIL)],
                            out_hbm.at[c, pl.ds(_NS * RPT, TAIL)])

    return seg_kernel(h, src, dst)


def _mlp_tc(h, parts, eps, Wa, ba, Wb, bb, g, be, Wl=None, bl=None):
    N, D = h.shape
    final = Wl is not None
    out_dim = Wl.shape[1] if final else Wb.shape[1]

    def body(h_ref, p_ref, eps_ref, Wa_ref, ba_ref, Wb_ref, bb_ref, g_ref,
             be_ref, *rest):
        out_ref = rest[-1]
        bf = jnp.bfloat16
        z = h_ref[...] * (1.0 + eps_ref[0, 0]) + p_ref[0] + p_ref[1]
        z = jnp.dot(z.astype(bf), Wa_ref[...].astype(bf),
                    preferred_element_type=jnp.float32)
        z = jnp.maximum(z + ba_ref[...], 0.0)
        z = jnp.dot(z.astype(bf), Wb_ref[...].astype(bf),
                    preferred_element_type=jnp.float32)
        z = jnp.maximum(z + bb_ref[...], 0.0)
        mean = jnp.mean(z, axis=0, keepdims=True)
        zc = z - mean
        var = jnp.mean(zc * zc, axis=0, keepdims=True)
        z = zc * lax.rsqrt(var + 1e-5) * g_ref[...] + be_ref[...]
        z = jnp.maximum(z, 0.0)
        if final:
            Wl_ref, bl_ref = rest[0], rest[1]
            z = jnp.dot(z.astype(bf), Wl_ref[...].astype(bf),
                        preferred_element_type=jnp.float32)
            z = z + bl_ref[...]
        out_ref[...] = z

    args = [h, parts, jnp.reshape(eps, (1, 1)), Wa, jnp.reshape(ba, (1, -1)),
            Wb, jnp.reshape(bb, (1, -1)), jnp.reshape(g, (1, -1)),
            jnp.reshape(be, (1, -1))]
    if final:
        args += [Wl, jnp.reshape(bl, (1, -1))]
    return pl.pallas_call(
        body,
        out_shape=jax.ShapeDtypeStruct((N, out_dim), jnp.float32),
    )(*args)


def kernel(x, edge_index, W1a, b1a, W1b, b1b, g1, be1, eps1,
           W2a, b2a, W2b, b2b, g2, be2, eps2,
           W3a, b3a, W3b, b3b, g3, be3, eps3, Wl, bl):
    dst0 = edge_index[1]
    order = jnp.argsort(dst0, stable=True)
    src = edge_index[0][order]
    dst = dst0[order]

    p1 = _seg_sum_sc(x, src, dst)
    h = _mlp_tc(x, p1, eps1, W1a, b1a, W1b, b1b, g1, be1)
    p2 = _seg_sum_sc(h, src, dst)
    h = _mlp_tc(h, p2, eps2, W2a, b2a, W2b, b2b, g2, be2)
    p3 = _seg_sum_sc(h, src, dst)
    h = _mlp_tc(h, p3, eps3, W3a, b3a, W3b, b3b, g3, be3, Wl=Wl, bl=bl)
    return h

# --- scband reference (transcript-rebuilt; emitter-appended) ---
"""Pipeline reference for scband-gin-13606456394537 (READ-ONLY COPY).

The authoritative reference and input builder live on the scoring server;
editing this copy changes nothing except your own understanding.
"""

import jax, jax.numpy as jnp
import numpy as np

N = 10000
E = 320000
D = 128
H = 128
O = 128
BN_EPS = 1e-5


def _lin_params(k, fan_in, fan_out):
    k1, k2 = jax.random.split(k)
    W = jax.random.normal(k1, (fan_in, fan_out), dtype=jnp.float32) * (1.0 / np.sqrt(fan_in))
    b = jax.random.uniform(k2, (fan_out,), dtype=jnp.float32, minval=-1.0 / np.sqrt(fan_in), maxval=1.0 / np.sqrt(fan_in))
    return W, b


def setup_inputs(seed: int = 0) -> dict:
    key = jax.random.key(seed)
    ks = jax.random.split(key, 10)
    x = jax.random.normal(ks[0], (N, D), dtype=jnp.float32)
    edge_index = jax.random.randint(ks[1], (2, E), 0, N, dtype=jnp.int32)
    W1a, b1a = _lin_params(ks[2], D, H)
    W1b, b1b = _lin_params(ks[3], H, H)
    W2a, b2a = _lin_params(ks[4], H, H)
    W2b, b2b = _lin_params(ks[5], H, H)
    W3a, b3a = _lin_params(ks[6], H, H)
    W3b, b3b = _lin_params(ks[7], H, H)
    Wl, bl = _lin_params(ks[8], H, O)
    return {
        'x': x, 'edge_index': edge_index,
        'W1a': W1a, 'b1a': b1a, 'W1b': W1b, 'b1b': b1b,
        'g1': jnp.ones((H,), jnp.float32), 'be1': jnp.zeros((H,), jnp.float32), 'eps1': jnp.zeros((), jnp.float32),
        'W2a': W2a, 'b2a': b2a, 'W2b': W2b, 'b2b': b2b,
        'g2': jnp.ones((H,), jnp.float32), 'be2': jnp.zeros((H,), jnp.float32), 'eps2': jnp.zeros((), jnp.float32),
        'W3a': W3a, 'b3a': b3a, 'W3b': W3b, 'b3b': b3b,
        'g3': jnp.ones((H,), jnp.float32), 'be3': jnp.zeros((H,), jnp.float32), 'eps3': jnp.zeros((), jnp.float32),
        'Wl': Wl, 'bl': bl,
    }


def _gin_conv(x, src, dst, eps, Wa, ba, Wb, bb, g, be):
    # sum aggregation of source features into destination nodes
    agg = jax.ops.segment_sum(x[src], dst, num_segments=N)
    h = (1.0 + eps) * x + agg
    h = jax.nn.relu(h @ Wa + ba)
    h = jax.nn.relu(h @ Wb + bb)
    # BatchNorm1d in training mode: biased batch statistics over node axis
    mean = jnp.mean(h, axis=0)
    var = jnp.var(h, axis=0)
    h = (h - mean) / jnp.sqrt(var + BN_EPS) * g + be
    return h


def reference(x, edge_index, W1a, b1a, W1b, b1b, g1, be1, eps1,
              W2a, b2a, W2b, b2b, g2, be2, eps2,
              W3a, b3a, W3b, b3b, g3, be3, eps3, Wl, bl):
    src = edge_index[0]
    dst = edge_index[1]
    h = jax.nn.relu(_gin_conv(x, src, dst, eps1, W1a, b1a, W1b, b1b, g1, be1))
    h = jax.nn.relu(_gin_conv(h, src, dst, eps2, W2a, b2a, W2b, b2b, g2, be2))
    h = jax.nn.relu(_gin_conv(h, src, dst, eps3, W3a, b3a, W3b, b3b, g3, be3))
    return h @ Wl + bl

if __name__ == "__main__":
    import jax
    _d = setup_inputs()
    print(jax.jit(kernel)(*tuple(_d.values())))

</pallas_src>

<mosaic_0001>
#map = affine_map<(d0, d1) -> (0, 0)>
#map1 = affine_map<(d0, d1) -> (0)>
#map2 = affine_map<(d0, d1) -> (0, 0, 0)>
module attributes {stable_mosaic.version = 14 : i64} {
  func.func @seg_kernel(%arg0: i32, %arg1: i32, %arg2: memref<10000x128xf32, #tpu.memory_space<hbm>>, %arg3: memref<320000xi32, #tpu.memory_space<hbm>>, %arg4: memref<320000xi32, #tpu.memory_space<hbm>>, %arg5: memref<2x10000x128xf32, #tpu.memory_space<hbm>>, %arg6: memref<10000x128xf32, #tpu.memory_space<vmem_shared>>, %arg7: memref<312x128xf32, #tpu.memory_space<vmem>>, %arg8: memref<80xi32, #tpu.memory_space<vmem>>, %arg9: memref<80xi32, #tpu.memory_space<vmem>>, %arg10: memref<80x128xf32, #tpu.memory_space<vmem>>, %arg11: memref<!tpu.dma_semaphore, #tpu.memory_space<semaphore_mem>>) attributes {dimension_semantics = [#tpu.dimension_semantics<core_parallel>, #tpu.dimension_semantics<subcore_parallel>], iteration_bounds = array<i64: 2, 16>, scalar_prefetch = 0 : i64, scratch_operands = 6 : i64, tpu.core_type = #tpu.core_type<sc_vector_subcore>, window_params = [{transform_indices = #map}, {transform_indices = #map1}, {transform_indices = #map1}, {transform_indices = #map2}]} {
    %mul3A = arith.constant 16 : i32
    %mul3A_0 = arith.muli %arg0, %mul3A : i32
    %add3A = arith.addi %mul3A_0, %arg1 : i32
    %broadcast_in_dim3A = arith.constant 0.000000e+00 : f32
    %broadcast_in_dim3A_1 = vector.broadcast %broadcast_in_dim3A : f32 to vector<16xf32>
    %scan3A = arith.constant 0 : i32
    %scan3A_2 = arith.constant 0 : i32
    %scan3A_3 = arith.constant 312 : i32
    %scan3A_4 = arith.addi %scan3A_2, %scan3A_3 : i32
    %scan3A_5 = arith.constant 1 : i32
    scf.for %scan3A_33 = %scan3A_2 to %scan3A_4 step %scan3A_5  : i32 {
      %scan3A_34 = arith.constant 0 : i32
      %scan3A_35 = arith.constant 8 : i32
      %scan3A_36 = arith.addi %scan3A_34, %scan3A_35 : i32
      %scan3A_37 = arith.constant 1 : i32
      scf.for %scan3A_39 = %scan3A_34 to %scan3A_36 step %scan3A_37  : i32 {
        %mul3A_40 = arith.constant 16 : i32
        %mul3A_41 = arith.muli %scan3A_39, %mul3A_40 : i32
        %swap3A = arith.index_cast %scan3A_33 : i32 to index
        %swap3A_42 = arith.index_cast %mul3A_41 : i32 to index
        %swap3A_43 = tpu.vector_load %arg7[%swap3A, %swap3A_42] {strides = array<i32>} : memref<312x128xf32, #tpu.memory_space<vmem>>, vector<1x16xf32>,
        %swap3A_44 = vector.shape_cast %swap3A_43 : vector<1x16xf32> to vector<16xf32>
        %swap3A_45 = vector.shape_cast %broadcast_in_dim3A_1 : vector<16xf32> to vector<1x16xf32>
        tpu.vector_store %arg7[%swap3A, %swap3A_42], %swap3A_45 {strides = array<i32>} : memref<312x128xf32, #tpu.memory_space<vmem>>, vector<1x16xf32>,
      }
      %scan3A_38 = arith.constant 8 : i32
    }
    %scan3A_6 = arith.constant 312 : i32
    %scan3A_7 = arith.constant 0 : i32
    %scan3A_8 = arith.constant 0 : i32
    %scan3A_9 = arith.constant 2 : i32
    %scan3A_10 = arith.addi %scan3A_8, %scan3A_9 : i32
    %scan3A_11 = arith.constant 1 : i32
    scf.for %scan3A_33 = %scan3A_8 to %scan3A_10 step %scan3A_11  : i32 {
      %mul3A_34 = arith.constant 624 : i32
      %mul3A_35 = arith.muli %arg1, %mul3A_34 : i32
      %mul3A_36 = arith.constant 312 : i32
      %mul3A_37 = arith.muli %scan3A_33, %mul3A_36 : i32
      %add3A_38 = arith.addi %mul3A_35, %mul3A_37 : i32
      "tpu.region"() ({
        %run_scoped3A = tpu.sem_alloc : memref<!tpu.dma_semaphore, #tpu.memory_space<semaphore_mem>>
        %dma_start3A = arith.constant 0 : i32
        %dma_start3A_39 = tpu.memref_slice %arg6[%add3A_38, %dma_start3A] : memref<10000x128xf32, #tpu.memory_space<vmem_shared>> -> memref<312x128xf32, #tpu.memory_space<vmem_shared>>
        %dma_start3A_40 = arith.constant 0 : i32
        %dma_start3A_41 = tpu.memref_slice %arg6[%add3A_38, %dma_start3A_40] : memref<10000x128xf32, #tpu.memory_space<vmem_shared>> -> memref<312x128xf32, #tpu.memory_space<vmem_shared>>
        tpu.enqueue_dma source(%arg7 : memref<312x128xf32, #tpu.memory_space<vmem>>) target(%dma_start3A_41 : memref<312x128xf32, #tpu.memory_space<vmem_shared>>) target_semaphore(%run_scoped3A : memref<!tpu.dma_semaphore, #tpu.memory_space<semaphore_mem>>)
        %dma_wait3A = arith.constant 0 : i32
        %dma_wait3A_42 = tpu.memref_slice %arg6[%add3A_38, %dma_wait3A] : memref<10000x128xf32, #tpu.memory_space<vmem_shared>> -> memref<312x128xf32, #tpu.memory_space<vmem_shared>>
        %dma_wait3A_43 = arith.constant 0 : i32
        %dma_wait3A_44 = tpu.memref_slice %arg6[%add3A_38, %dma_wait3A_43] : memref<10000x128xf32, #tpu.memory_space<vmem_shared>> -> memref<312x128xf32, #tpu.memory_space<vmem_shared>>
        tpu.wait_dma2 semaphore(%run_scoped3A : memref<!tpu.dma_semaphore, #tpu.memory_space<semaphore_mem>>) src(%arg7 : memref<312x128xf32, #tpu.memory_space<vmem>>) dst(%dma_wait3A_44 : memref<312x128xf32, #tpu.memory_space<vmem_shared>>)
        tpu.yield
      }) : () -> ()
    }
    %scan3A_12 = arith.constant 2 : i32
    %eq3A = arith.constant 0 : i32
    %eq3A_13 = arith.cmpi eq, %arg1, %eq3A : i32
    %convert_element_type3A = arith.extui %eq3A_13 : i1 to i32
    %cond3A = arith.constant 0 : i32
    %cond3A_14 = arith.cmpi ne, %convert_element_type3A, %cond3A : i32
    scf.if %cond3A_14 {
      "tpu.region"() ({
        %run_scoped3A = tpu.sem_alloc : memref<!tpu.dma_semaphore, #tpu.memory_space<semaphore_mem>>
        %dma_start3A = arith.constant 0 : i32
        %dma_start3A_33 = arith.constant 0 : i32
        %dma_start3A_34 = tpu.memref_slice %arg7[%dma_start3A, %dma_start3A_33] : memref<312x128xf32, #tpu.memory_space<vmem>> -> memref<16x128xf32, #tpu.memory_space<vmem>>
        %dma_start3A_35 = arith.constant 9984 : i32
        %dma_start3A_36 = arith.constant 0 : i32
        %dma_start3A_37 = tpu.memref_slice %arg6[%dma_start3A_35, %dma_start3A_36] : memref<10000x128xf32, #tpu.memory_space<vmem_shared>> -> memref<16x128xf32, #tpu.memory_space<vmem_shared>>
        %dma_start3A_38 = arith.constant 9984 : i32
        %dma_start3A_39 = arith.constant 0 : i32
        %dma_start3A_40 = tpu.memref_slice %arg6[%dma_start3A_38, %dma_start3A_39] : memref<10000x128xf32, #tpu.memory_space<vmem_shared>> -> memref<16x128xf32, #tpu.memory_space<vmem_shared>>
        %dma_start3A_41 = arith.constant 0 : i32
        %dma_start3A_42 = arith.constant 0 : i32
        %dma_start3A_43 = tpu.memref_slice %arg7[%dma_start3A_41, %dma_start3A_42] : memref<312x128xf32, #tpu.memory_space<vmem>> -> memref<16x128xf32, #tpu.memory_space<vmem>>
        tpu.enqueue_dma source(%dma_start3A_43 : memref<16x128xf32, #tpu.memory_space<vmem>>) target(%dma_start3A_40 : memref<16x128xf32, #tpu.memory_space<vmem_shared>>) target_semaphore(%run_scoped3A : memref<!tpu.dma_semaphore, #tpu.memory_space<semaphore_mem>>)
        %dma_wait3A = arith.constant 0 : i32
        %dma_wait3A_44 = arith.constant 0 : i32
        %dma_wait3A_45 = tpu.memref_slice %arg7[%dma_wait3A, %dma_wait3A_44] : memref<312x128xf32, #tpu.memory_space<vmem>> -> memref<16x128xf32, #tpu.memory_space<vmem>>
        %dma_wait3A_46 = arith.constant 9984 : i32
        %dma_wait3A_47 = arith.constant 0 : i32
        %dma_wait3A_48 = tpu.memref_slice %arg6[%dma_wait3A_46, %dma_wait3A_47] : memref<10000x128xf32, #tpu.memory_space<vmem_shared>> -> memref<16x128xf32, #tpu.memory_space<vmem_shared>>
        %dma_wait3A_49 = arith.constant 9984 : i32
        %dma_wait3A_50 = arith.constant 0 : i32
        %dma_wait3A_51 = tpu.memref_slice %arg6[%dma_wait3A_49, %dma_wait3A_50] : memref<10000x128xf32, #tpu.memory_space<vmem_shared>> -> memref<16x128xf32, #tpu.memory_space<vmem_shared>>
        %dma_wait3A_52 = arith.constant 0 : i32
        %dma_wait3A_53 = arith.constant 0 : i32
        %dma_wait3A_54 = tpu.memref_slice %arg7[%dma_wait3A_52, %dma_wait3A_53] : memref<312x128xf32, #tpu.memory_space<vmem>> -> memref<16x128xf32, #tpu.memory_space<vmem>>
        tpu.wait_dma2 semaphore(%run_scoped3A : memref<!tpu.dma_semaphore, #tpu.memory_space<semaphore_mem>>) src(%dma_wait3A_54 : memref<16x128xf32, #tpu.memory_space<vmem>>) dst(%dma_wait3A_51 : memref<16x128xf32, #tpu.memory_space<vmem_shared>>)
        tpu.yield
      }) : () -> ()
    } else {
    }
    %barrier3A = arith.constant 0 : index
    tpu.barrier barrier_id(%barrier3A)
    %mul3A_15 = arith.constant 10000 : i32
    %mul3A_16 = arith.muli %add3A, %mul3A_15 : i32
    %scan3A_17 = arith.constant 0 : i32
    %scan3A_18 = arith.constant 0 : i32
    %scan3A_19 = arith.constant 125 : i32
    %scan3A_20 = arith.addi %scan3A_18, %scan3A_19 : i32
    %scan3A_21 = arith.constant 1 : i32
    scf.for %scan3A_33 = %scan3A_18 to %scan3A_20 step %scan3A_21  : i32 {
      %mul3A_34 = arith.constant 80 : i32
      %mul3A_35 = arith.muli %scan3A_33, %mul3A_34 : i32
      %add3A_36 = arith.addi %mul3A_16, %mul3A_35 : i32
      "tpu.region"() ({
        %run_scoped3A = tpu.sem_alloc : memref<!tpu.dma_semaphore, #tpu.memory_space<semaphore_mem>>
        %dma_start3A_41 = tpu.memref_slice %arg3[%add3A_36] : memref<320000xi32, #tpu.memory_space<hbm>> -> memref<80xi32, #tpu.memory_space<hbm>>
        %dma_start3A_42 = tpu.memref_slice %arg3[%add3A_36] : memref<320000xi32, #tpu.memory_space<hbm>> -> memref<80xi32, #tpu.memory_space<hbm>>
        tpu.enqueue_dma source(%dma_start3A_42 : memref<80xi32, #tpu.memory_space<hbm>>) target(%arg8 : memref<80xi32, #tpu.memory_space<vmem>>) target_semaphore(%run_scoped3A : memref<!tpu.dma_semaphore, #tpu.memory_space<semaphore_mem>>)
        %dma_wait3A_43 = tpu.memref_slice %arg3[%add3A_36] : memref<320000xi32, #tpu.memory_space<hbm>> -> memref<80xi32, #tpu.memory_space<hbm>>
        %dma_wait3A_44 = tpu.memref_slice %arg3[%add3A_36] : memref<320000xi32, #tpu.memory_space<hbm>> -> memref<80xi32, #tpu.memory_space<hbm>>
        tpu.wait_dma2 semaphore(%run_scoped3A : memref<!tpu.dma_semaphore, #tpu.memory_space<semaphore_mem>>) src(%dma_wait3A_44 : memref<80xi32, #tpu.memory_space<hbm>>) dst(%arg8 : memref<80xi32, #tpu.memory_space<vmem>>)
        tpu.yield
      }) : () -> ()
      "tpu.region"() ({
        %run_scoped3A = tpu.sem_alloc : memref<!tpu.dma_semaphore, #tpu.memory_space<semaphore_mem>>
        %dma_start3A_41 = tpu.memref_slice %arg4[%add3A_36] : memref<320000xi32, #tpu.memory_space<hbm>> -> memref<80xi32, #tpu.memory_space<hbm>>
        %dma_start3A_42 = tpu.memref_slice %arg4[%add3A_36] : memref<320000xi32, #tpu.memory_space<hbm>> -> memref<80xi32, #tpu.memory_space<hbm>>
        tpu.enqueue_dma source(%dma_start3A_42 : memref<80xi32, #tpu.memory_space<hbm>>) target(%arg9 : memref<80xi32, #tpu.memory_space<vmem>>) target_semaphore(%run_scoped3A : memref<!tpu.dma_semaphore, #tpu.memory_space<semaphore_mem>>)
        %dma_wait3A_43 = tpu.memref_slice %arg4[%add3A_36] : memref<320000xi32, #tpu.memory_space<hbm>> -> memref<80xi32, #tpu.memory_space<hbm>>
        %dma_wait3A_44 = tpu.memref_slice %arg4[%add3A_36] : memref<320000xi32, #tpu.memory_space<hbm>> -> memref<80xi32, #tpu.memory_space<hbm>>
        tpu.wait_dma2 semaphore(%run_scoped3A : memref<!tpu.dma_semaphore, #tpu.memory_space<semaphore_mem>>) src(%dma_wait3A_44 : memref<80xi32, #tpu.memory_space<hbm>>) dst(%arg9 : memref<80xi32, #tpu.memory_space<vmem>>)
        tpu.yield
      }) : () -> ()
      %dma_start3A = arith.constant 0 : i32
      %dma_start3A_37 = arith.constant 0 : i32
      %dma_start3A_38 = tpu.memref_slice %arg2[%dma_start3A, %dma_start3A_37] : memref<10000x128xf32, #tpu.memory_space<hbm>> -> memref<10000x128xf32, #tpu.memory_space<hbm>>
      tpu.enqueue_indirect_dma source(%dma_start3A_38 : memref<10000x128xf32, #tpu.memory_space<hbm>>) target(%arg10 : memref<80x128xf32, #tpu.memory_space<vmem>>) offsets(%arg8 : memref<80xi32, #tpu.memory_space<vmem>>) semaphore(%arg11 : memref<!tpu.dma_semaphore, #tpu.memory_space<semaphore_mem>>)
      %dma_wait3A = arith.constant 0 : i32
      %dma_wait3A_39 = arith.constant 0 : i32
      %dma_wait3A_40 = tpu.memref_slice %arg2[%dma_wait3A, %dma_wait3A_39] : memref<10000x128xf32, #tpu.memory_space<hbm>> -> memref<10000x128xf32, #tpu.memory_space<hbm>>
      tpu.wait_indirect_dma semaphore(%arg11 : memref<!tpu.dma_semaphore, #tpu.memory_space<semaphore_mem>>) src(%dma_wait3A_40 : memref<10000x128xf32, #tpu.memory_space<hbm>>) dst(%arg10 : memref<80x128xf32, #tpu.memory_space<vmem>>)
      "tpu.region"() ({
        %run_scoped3A = tpu.sem_alloc : memref<!tpu.dma_semaphore, #tpu.memory_space<semaphore_mem>>
        %dma_start3A_41 = arith.constant 0 : i32
        %dma_start3A_42 = arith.constant 0 : i32
        %dma_start3A_43 = tpu.memref_slice %arg6[%dma_start3A_41, %dma_start3A_42] : memref<10000x128xf32, #tpu.memory_space<vmem_shared>> -> memref<10000x128xf32, #tpu.memory_space<vmem_shared>>
        tpu.enqueue_indirect_dma source(%arg10 : memref<80x128xf32, #tpu.memory_space<vmem>>) target(%dma_start3A_43 : memref<10000x128xf32, #tpu.memory_space<vmem_shared>>) offsets(%arg9 : memref<80xi32, #tpu.memory_space<vmem>>) semaphore(%run_scoped3A : memref<!tpu.dma_semaphore, #tpu.memory_space<semaphore_mem>>) {add = true}
        %dma_wait3A_44 = arith.constant 0 : i32
        %dma_wait3A_45 = arith.constant 0 : i32
        %dma_wait3A_46 = tpu.memref_slice %arg6[%dma_wait3A_44, %dma_wait3A_45] : memref<10000x128xf32, #tpu.memory_space<vmem_shared>> -> memref<10000x128xf32, #tpu.memory_space<vmem_shared>>
        tpu.wait_indirect_dma semaphore(%run_scoped3A : memref<!tpu.dma_semaphore, #tpu.memory_space<semaphore_mem>>) src(%arg10 : memref<80x128xf32, #tpu.memory_space<vmem>>) dst(%dma_wait3A_46 : memref<10000x128xf32, #tpu.memory_space<vmem_shared>>)
        tpu.yield
      }) : () -> ()
    }
    %scan3A_22 = arith.constant 125 : i32
    %barrier3A_23 = arith.constant 0 : index
    tpu.barrier barrier_id(%barrier3A_23)
    %mul3A_24 = arith.constant 624 : i32
    %mul3A_25 = arith.muli %arg1, %mul3A_24 : i32
    %mul3A_26 = arith.constant 624 : i32
    %mul3A_27 = arith.muli %arg1, %mul3A_26 : i32
    "tpu.region"() ({
      %run_scoped3A = tpu.sem_alloc : memref<!tpu.dma_semaphore, #tpu.memory_space<semaphore_mem>>
      %dma_start3A = arith.constant 0 : i32
      %dma_start3A_33 = tpu.memref_slice %arg5[%arg0, %mul3A_27, %dma_start3A] : memref<2x10000x128xf32, #tpu.memory_space<hbm>> -> memref<1x624x128xf32, #tpu.memory_space<hbm>>
      %dma_start3A_34 = tpu.memref_squeeze %dma_start3A_33 : memref<1x624x128xf32, #tpu.memory_space<hbm>> -> memref<624x128xf32, #tpu.memory_space<hbm>>
      %dma_start3A_35 = arith.constant 0 : i32
      %dma_start3A_36 = tpu.memref_slice %arg6[%mul3A_25, %dma_start3A_35] : memref<10000x128xf32, #tpu.memory_space<vmem_shared>> -> memref<624x128xf32, #tpu.memory_space<vmem_shared>>
      tpu.enqueue_dma source(%dma_start3A_36 : memref<624x128xf32, #tpu.memory_space<vmem_shared>>) target(%dma_start3A_34 : memref<624x128xf32, #tpu.memory_space<hbm>>) target_semaphore(%run_scoped3A : memref<!tpu.dma_semaphore, #tpu.memory_space<semaphore_mem>>)
      %dma_wait3A = arith.constant 0 : i32
      %dma_wait3A_37 = tpu.memref_slice %arg5[%arg0, %mul3A_27, %dma_wait3A] : memref<2x10000x128xf32, #tpu.memory_space<hbm>> -> memref<1x624x128xf32, #tpu.memory_space<hbm>>
      %dma_wait3A_38 = tpu.memref_squeeze %dma_wait3A_37 : memref<1x624x128xf32, #tpu.memory_space<hbm>> -> memref<624x128xf32, #tpu.memory_space<hbm>>
      %dma_wait3A_39 = arith.constant 0 : i32
      %dma_wait3A_40 = tpu.memref_slice %arg6[%mul3A_25, %dma_wait3A_39] : memref<10000x128xf32, #tpu.memory_space<vmem_shared>> -> memref<624x128xf32, #tpu.memory_space<vmem_shared>>
      tpu.wait_dma2 semaphore(%run_scoped3A : memref<!tpu.dma_semaphore, #tpu.memory_space<semaphore_mem>>) src(%dma_wait3A_40 : memref<624x128xf32, #tpu.memory_space<vmem_shared>>) dst(%dma_wait3A_38 : memref<624x128xf32, #tpu.memory_space<hbm>>)
      tpu.yield
    }) : () -> ()
    %eq3A_28 = arith.constant 0 : i32
    %eq3A_29 = arith.cmpi eq, %arg1, %eq3A_28 : i32
    %convert_element_type3A_30 = arith.extui %eq3A_29 : i1 to i32
    %cond3A_31 = arith.constant 0 : i32
    %cond3A_32 = arith.cmpi ne, %convert_element_type3A_30, %cond3A_31 : i32
    scf.if %cond3A_32 {
      "tpu.region"() ({
        %run_scoped3A = tpu.sem_alloc : memref<!tpu.dma_semaphore, #tpu.memory_space<semaphore_mem>>
        %dma_start3A = arith.constant 9984 : i32
        %dma_start3A_33 = arith.constant 0 : i32
        %dma_start3A_34 = tpu.memref_slice %arg5[%arg0, %dma_start3A, %dma_start3A_33] : memref<2x10000x128xf32, #tpu.memory_space<hbm>> -> memref<1x16x128xf32, #tpu.memory_space<hbm>>
        %dma_start3A_35 = tpu.memref_squeeze %dma_start3A_34 : memref<1x16x128xf32, #tpu.memory_space<hbm>> -> memref<16x128xf32, #tpu.memory_space<hbm>>
        %dma_start3A_36 = arith.constant 9984 : i32
        %dma_start3A_37 = arith.constant 0 : i32
        %dma_start3A_38 = tpu.memref_slice %arg6[%dma_start3A_36, %dma_start3A_37] : memref<10000x128xf32, #tpu.memory_space<vmem_shared>> -> memref<16x128xf32, #tpu.memory_space<vmem_shared>>
        tpu.enqueue_dma source(%dma_start3A_38 : memref<16x128xf32, #tpu.memory_space<vmem_shared>>) target(%dma_start3A_35 : memref<16x128xf32, #tpu.memory_space<hbm>>) target_semaphore(%run_scoped3A : memref<!tpu.dma_semaphore, #tpu.memory_space<semaphore_mem>>)
        %dma_wait3A = arith.constant 9984 : i32
        %dma_wait3A_39 = arith.constant 0 : i32
        %dma_wait3A_40 = tpu.memref_slice %arg5[%arg0, %dma_wait3A, %dma_wait3A_39] : memref<2x10000x128xf32, #tpu.memory_space<hbm>> -> memref<1x16x128xf32, #tpu.memory_space<hbm>>
        %dma_wait3A_41 = tpu.memref_squeeze %dma_wait3A_40 : memref<1x16x128xf32, #tpu.memory_space<hbm>> -> memref<16x128xf32, #tpu.memory_space<hbm>>
        %dma_wait3A_42 = arith.constant 9984 : i32
        %dma_wait3A_43 = arith.constant 0 : i32
        %dma_wait3A_44 = tpu.memref_slice %arg6[%dma_wait3A_42, %dma_wait3A_43] : memref<10000x128xf32, #tpu.memory_space<vmem_shared>> -> memref<16x128xf32, #tpu.memory_space<vmem_shared>>
        tpu.wait_dma2 semaphore(%run_scoped3A : memref<!tpu.dma_semaphore, #tpu.memory_space<semaphore_mem>>) src(%dma_wait3A_44 : memref<16x128xf32, #tpu.memory_space<vmem_shared>>) dst(%dma_wait3A_41 : memref<16x128xf32, #tpu.memory_space<hbm>>)
        tpu.yield
      }) : () -> ()
    } else {
    }
    return
  }
}

#map = affine_map<(d0, d1) -> (0, 0)>
#map1 = affine_map<(d0, d1) -> (0)>
#map2 = affine_map<(d0, d1) -> (0, 0, 0)>
module attributes {stable_mosaic.version = 14 : i64} {
  func.func @seg_kernel(%arg0: i32, %arg1: i32, %arg2: memref<10000x128xf32, #tpu.memory_space<hbm>>, %arg3: memref<320000xi32, #tpu.memory_space<hbm>>, %arg4: memref<320000xi32, #tpu.memory_space<hbm>>, %arg5: memref<2x10000x128xf32, #tpu.memory_space<hbm>>, %arg6: memref<10000x128xf32, #tpu.memory_space<vmem_shared>>, %arg7: memref<312x128xf32, #tpu.memory_space<vmem>>, %arg8: memref<80xi32, #tpu.memory_space<vmem>>, %arg9: memref<80xi32, #tpu.memory_space<vmem>>, %arg10: memref<80x128xf32, #tpu.memory_space<vmem>>, %arg11: memref<!tpu.dma_semaphore, #tpu.memory_space<semaphore_mem>>) attributes {dimension_semantics = [#tpu.dimension_semantics<core_parallel>, #tpu.dimension_semantics<subcore_parallel>], iteration_bounds = array<i64: 2, 16>, scalar_prefetch = 0 : i64, scratch_operands = 6 : i64, tpu.core_type = #tpu.core_type<sc_vector_subcore>, window_params = [{transform_indices = #map}, {transform_indices = #map1}, {transform_indices = #map1}, {transform_indices = #map2}]} {
    %mul3A = arith.constant 16 : i32
    %mul3A_0 = arith.muli %arg0, %mul3A : i32
    %add3A = arith.addi %mul3A_0, %arg1 : i32
    %broadcast_in_dim3A = arith.constant 0.000000e+00 : f32
    %broadcast_in_dim3A_1 = vector.broadcast %broadcast_in_dim3A : f32 to vector<16xf32>
    %scan3A = arith.constant 0 : i32
    %scan3A_2 = arith.constant 0 : i32
    %scan3A_3 = arith.constant 312 : i32
    %scan3A_4 = arith.addi %scan3A_2, %scan3A_3 : i32
    %scan3A_5 = arith.constant 1 : i32
    scf.for %scan3A_33 = %scan3A_2 to %scan3A_4 step %scan3A_5  : i32 {
      %scan3A_34 = arith.constant 0 : i32
      %scan3A_35 = arith.constant 8 : i32
      %scan3A_36 = arith.addi %scan3A_34, %scan3A_35 : i32
      %scan3A_37 = arith.constant 1 : i32
      scf.for %scan3A_39 = %scan3A_34 to %scan3A_36 step %scan3A_37  : i32 {
        %mul3A_40 = arith.constant 16 : i32
        %mul3A_41 = arith.muli %scan3A_39, %mul3A_40 : i32
        %swap3A = arith.index_cast %scan3A_33 : i32 to index
        %swap3A_42 = arith.index_cast %mul3A_41 : i32 to index
        %swap3A_43 = tpu.vector_load %arg7[%swap3A, %swap3A_42] {strides = array<i32>} : memref<312x128xf32, #tpu.memory_space<vmem>>, vector<1x16xf32>,
        %swap3A_44 = vector.shape_cast %swap3A_43 : vector<1x16xf32> to vector<16xf32>
        %swap3A_45 = vector.shape_cast %broadcast_in_dim3A_1 : vector<16xf32> to vector<1x16xf32>
        tpu.vector_store %arg7[%swap3A, %swap3A_42], %swap3A_45 {strides = array<i32>} : memref<312x128xf32, #tpu.memory_space<vmem>>, vector<1x16xf32>,
      }
      %scan3A_38 = arith.constant 8 : i32
    }
    %scan3A_6 = arith.constant 312 : i32
    %scan3A_7 = arith.constant 0 : i32
    %scan3A_8 = arith.constant 0 : i32
    %scan3A_9 = arith.constant 2 : i32
    %scan3A_10 = arith.addi %scan3A_8, %scan3A_9 : i32
    %scan3A_11 = arith.constant 1 : i32
    scf.for %scan3A_33 = %scan3A_8 to %scan3A_10 step %scan3A_11  : i32 {
      %mul3A_34 = arith.constant 624 : i32
      %mul3A_35 = arith.muli %arg1, %mul3A_34 : i32
      %mul3A_36 = arith.constant 312 : i32
      %mul3A_37 = arith.muli %scan3A_33, %mul3A_36 : i32
      %add3A_38 = arith.addi %mul3A_35, %mul3A_37 : i32
      "tpu.region"() ({
        %run_scoped3A = tpu.sem_alloc : memref<!tpu.dma_semaphore, #tpu.memory_space<semaphore_mem>>
        %dma_start3A = arith.constant 0 : i32
        %dma_start3A_39 = tpu.memref_slice %arg6[%add3A_38, %dma_start3A] : memref<10000x128xf32, #tpu.memory_space<vmem_shared>> -> memref<312x128xf32, #tpu.memory_space<vmem_shared>>
        %dma_start3A_40 = arith.constant 0 : i32
        %dma_start3A_41 = tpu.memref_slice %arg6[%add3A_38, %dma_start3A_40] : memref<10000x128xf32, #tpu.memory_space<vmem_shared>> -> memref<312x128xf32, #tpu.memory_space<vmem_shared>>
        tpu.enqueue_dma source(%arg7 : memref<312x128xf32, #tpu.memory_space<vmem>>) target(%dma_start3A_41 : memref<312x128xf32, #tpu.memory_space<vmem_shared>>) target_semaphore(%run_scoped3A : memref<!tpu.dma_semaphore, #tpu.memory_space<semaphore_mem>>)
        %dma_wait3A = arith.constant 0 : i32
        %dma_wait3A_42 = tpu.memref_slice %arg6[%add3A_38, %dma_wait3A] : memref<10000x128xf32, #tpu.memory_space<vmem_shared>> -> memref<312x128xf32, #tpu.memory_space<vmem_shared>>
        %dma_wait3A_43 = arith.constant 0 : i32
        %dma_wait3A_44 = tpu.memref_slice %arg6[%add3A_38, %dma_wait3A_43] : memref<10000x128xf32, #tpu.memory_space<vmem_shared>> -> memref<312x128xf32, #tpu.memory_space<vmem_shared>>
        tpu.wait_dma2 semaphore(%run_scoped3A : memref<!tpu.dma_semaphore, #tpu.memory_space<semaphore_mem>>) src(%arg7 : memref<312x128xf32, #tpu.memory_space<vmem>>) dst(%dma_wait3A_44 : memref<312x128xf32, #tpu.memory_space<vmem_shared>>)
        tpu.yield
      }) : () -> ()
    }
    %scan3A_12 = arith.constant 2 : i32
    %eq3A = arith.constant 0 : i32
    %eq3A_13 = arith.cmpi eq, %arg1, %eq3A : i32
    %convert_element_type3A = arith.extui %eq3A_13 : i1 to i32
    %cond3A = arith.constant 0 : i32
    %cond3A_14 = arith.cmpi ne, %convert_element_type3A, %cond3A : i32
    scf.if %cond3A_14 {
      "tpu.region"() ({
        %run_scoped3A = tpu.sem_alloc : memref<!tpu.dma_semaphore, #tpu.memory_space<semaphore_mem>>
        %dma_start3A = arith.constant 0 : i32
        %dma_start3A_33 = arith.constant 0 : i32
        %dma_start3A_34 = tpu.memref_slice %arg7[%dma_start3A, %dma_start3A_33] : memref<312x128xf32, #tpu.memory_space<vmem>> -> memref<16x128xf32, #tpu.memory_space<vmem>>
        %dma_start3A_35 = arith.constant 9984 : i32
        %dma_start3A_36 = arith.constant 0 : i32
        %dma_start3A_37 = tpu.memref_slice %arg6[%dma_start3A_35, %dma_start3A_36] : memref<10000x128xf32, #tpu.memory_space<vmem_shared>> -> memref<16x128xf32, #tpu.memory_space<vmem_shared>>
        %dma_start3A_38 = arith.constant 9984 : i32
        %dma_start3A_39 = arith.constant 0 : i32
        %dma_start3A_40 = tpu.memref_slice %arg6[%dma_start3A_38, %dma_start3A_39] : memref<10000x128xf32, #tpu.memory_space<vmem_shared>> -> memref<16x128xf32, #tpu.memory_space<vmem_shared>>
        %dma_start3A_41 = arith.constant 0 : i32
        %dma_start3A_42 = arith.constant 0 : i32
        %dma_start3A_43 = tpu.memref_slice %arg7[%dma_start3A_41, %dma_start3A_42] : memref<312x128xf32, #tpu.memory_space<vmem>> -> memref<16x128xf32, #tpu.memory_space<vmem>>
        tpu.enqueue_dma source(%dma_start3A_43 : memref<16x128xf32, #tpu.memory_space<vmem>>) target(%dma_start3A_40 : memref<16x128xf32, #tpu.memory_space<vmem_shared>>) target_semaphore(%run_scoped3A : memref<!tpu.dma_semaphore, #tpu.memory_space<semaphore_mem>>)
        %dma_wait3A = arith.constant 0 : i32
        %dma_wait3A_44 = arith.constant 0 : i32
        %dma_wait3A_45 = tpu.memref_slice %arg7[%dma_wait3A, %dma_wait3A_44] : memref<312x128xf32, #tpu.memory_space<vmem>> -> memref<16x128xf32, #tpu.memory_space<vmem>>
        %dma_wait3A_46 = arith.constant 9984 : i32
        %dma_wait3A_47 = arith.constant 0 : i32
        %dma_wait3A_48 = tpu.memref_slice %arg6[%dma_wait3A_46, %dma_wait3A_47] : memref<10000x128xf32, #tpu.memory_space<vmem_shared>> -> memref<16x128xf32, #tpu.memory_space<vmem_shared>>
        %dma_wait3A_49 = arith.constant 9984 : i32
        %dma_wait3A_50 = arith.constant 0 : i32
        %dma_wait3A_51 = tpu.memref_slice %arg6[%dma_wait3A_49, %dma_wait3A_50] : memref<10000x128xf32, #tpu.memory_space<vmem_shared>> -> memref<16x128xf32, #tpu.memory_space<vmem_shared>>
        %dma_wait3A_52 = arith.constant 0 : i32
        %dma_wait3A_53 = arith.constant 0 : i32
        %dma_wait3A_54 = tpu.memref_slice %arg7[%dma_wait3A_52, %dma_wait3A_53] : memref<312x128xf32, #tpu.memory_space<vmem>> -> memref<16x128xf32, #tpu.memory_space<vmem>>
        tpu.wait_dma2 semaphore(%run_scoped3A : memref<!tpu.dma_semaphore, #tpu.memory_space<semaphore_mem>>) src(%dma_wait3A_54 : memref<16x128xf32, #tpu.memory_space<vmem>>) dst(%dma_wait3A_51 : memref<16x128xf32, #tpu.memory_space<vmem_shared>>)
        tpu.yield
      }) : () -> ()
    } else {
    }
    %barrier3A = arith.constant 0 : index
    tpu.barrier barrier_id(%barrier3A)
    %mul3A_15 = arith.constant 10000 : i32
    %mul3A_16 = arith.muli %add3A, %mul3A_15 : i32
    %scan3A_17 = arith.constant 0 : i32
    %scan3A_18 = arith.constant 0 : i32
    %scan3A_19 = arith.constant 125 : i32
    %scan3A_20 = arith.addi %scan3A_18, %scan3A_19 : i32
    %scan3A_21 = arith.constant 1 : i32
    scf.for %scan3A_33 = %scan3A_18 to %scan3A_20 step %scan3A_21  : i32 {
      %mul3A_34 = arith.constant 80 : i32
      %mul3A_35 = arith.muli %scan3A_33, %mul3A_34 : i32
      %add3A_36 = arith.addi %mul3A_16, %mul3A_35 : i32
      "tpu.region"() ({
        %run_scoped3A = tpu.sem_alloc : memref<!tpu.dma_semaphore, #tpu.memory_space<semaphore_mem>>
        %dma_start3A_41 = tpu.memref_slice %arg3[%add3A_36] : memref<320000xi32, #tpu.memory_space<hbm>> -> memref<80xi32, #tpu.memory_space<hbm>>
        %dma_start3A_42 = tpu.memref_slice %arg3[%add3A_36] : memref<320000xi32, #tpu.memory_space<hbm>> -> memref<80xi32, #tpu.memory_space<hbm>>
        tpu.enqueue_dma source(%dma_start3A_42 : memref<80xi32, #tpu.memory_space<hbm>>) target(%arg8 : memref<80xi32, #tpu.memory_space<vmem>>) target_semaphore(%run_scoped3A : memref<!tpu.dma_semaphore, #tpu.memory_space<semaphore_mem>>)
        %dma_wait3A_43 = tpu.memref_slice %arg3[%add3A_36] : memref<320000xi32, #tpu.memory_space<hbm>> -> memref<80xi32, #tpu.memory_space<hbm>>
        %dma_wait3A_44 = tpu.memref_slice %arg3[%add3A_36] : memref<320000xi32, #tpu.memory_space<hbm>> -> memref<80xi32, #tpu.memory_space<hbm>>
        tpu.wait_dma2 semaphore(%run_scoped3A : memref<!tpu.dma_semaphore, #tpu.memory_space<semaphore_mem>>) src(%dma_wait3A_44 : memref<80xi32, #tpu.memory_space<hbm>>) dst(%arg8 : memref<80xi32, #tpu.memory_space<vmem>>)
        tpu.yield
      }) : () -> ()
      "tpu.region"() ({
        %run_scoped3A = tpu.sem_alloc : memref<!tpu.dma_semaphore, #tpu.memory_space<semaphore_mem>>
        %dma_start3A_41 = tpu.memref_slice %arg4[%add3A_36] : memref<320000xi32, #tpu.memory_space<hbm>> -> memref<80xi32, #tpu.memory_space<hbm>>
        %dma_start3A_42 = tpu.memref_slice %arg4[%add3A_36] : memref<320000xi32, #tpu.memory_space<hbm>> -> memref<80xi32, #tpu.memory_space<hbm>>
        tpu.enqueue_dma source(%dma_start3A_42 : memref<80xi32, #tpu.memory_space<hbm>>) target(%arg9 : memref<80xi32, #tpu.memory_space<vmem>>) target_semaphore(%run_scoped3A : memref<!tpu.dma_semaphore, #tpu.memory_space<semaphore_mem>>)
        %dma_wait3A_43 = tpu.memref_slice %arg4[%add3A_36] : memref<320000xi32, #tpu.memory_space<hbm>> -> memref<80xi32, #tpu.memory_space<hbm>>
        %dma_wait3A_44 = tpu.memref_slice %arg4[%add3A_36] : memref<320000xi32, #tpu.memory_space<hbm>> -> memref<80xi32, #tpu.memory_space<hbm>>
        tpu.wait_dma2 semaphore(%run_scoped3A : memref<!tpu.dma_semaphore, #tpu.memory_space<semaphore_mem>>) src(%dma_wait3A_44 : memref<80xi32, #tpu.memory_space<hbm>>) dst(%arg9 : memref<80xi32, #tpu.memory_space<vmem>>)
        tpu.yield
      }) : () -> ()
      %dma_start3A = arith.constant 0 : i32
      %dma_start3A_37 = arith.constant 0 : i32
      %dma_start3A_38 = tpu.memref_slice %arg2[%dma_start3A, %dma_start3A_37] : memref<10000x128xf32, #tpu.memory_space<hbm>> -> memref<10000x128xf32, #tpu.memory_space<hbm>>
      tpu.enqueue_indirect_dma source(%dma_start3A_38 : memref<10000x128xf32, #tpu.memory_space<hbm>>) target(%arg10 : memref<80x128xf32, #tpu.memory_space<vmem>>) offsets(%arg8 : memref<80xi32, #tpu.memory_space<vmem>>) semaphore(%arg11 : memref<!tpu.dma_semaphore, #tpu.memory_space<semaphore_mem>>)
      %dma_wait3A = arith.constant 0 : i32
      %dma_wait3A_39 = arith.constant 0 : i32
      %dma_wait3A_40 = tpu.memref_slice %arg2[%dma_wait3A, %dma_wait3A_39] : memref<10000x128xf32, #tpu.memory_space<hbm>> -> memref<10000x128xf32, #tpu.memory_space<hbm>>
      tpu.wait_indirect_dma semaphore(%arg11 : memref<!tpu.dma_semaphore, #tpu.memory_space<semaphore_mem>>) src(%dma_wait3A_40 : memref<10000x128xf32, #tpu.memory_space<hbm>>) dst(%arg10 : memref<80x128xf32, #tpu.memory_space<vmem>>)
      "tpu.region"() ({
        %run_scoped3A = tpu.sem_alloc : memref<!tpu.dma_semaphore, #tpu.memory_space<semaphore_mem>>
        %dma_start3A_41 = arith.constant 0 : i32
        %dma_start3A_42 = arith.constant 0 : i32
        %dma_start3A_43 = tpu.memref_slice %arg6[%dma_start3A_41, %dma_start3A_42] : memref<10000x128xf32, #tpu.memory_space<vmem_shared>> -> memref<10000x128xf32, #tpu.memory_space<vmem_shared>>
        tpu.enqueue_indirect_dma source(%arg10 : memref<80x128xf32, #tpu.memory_space<vmem>>) target(%dma_start3A_43 : memref<10000x128xf32, #tpu.memory_space<vmem_shared>>) offsets(%arg9 : memref<80xi32, #tpu.memory_space<vmem>>) semaphore(%run_scoped3A : memref<!tpu.dma_semaphore, #tpu.memory_space<semaphore_mem>>) {add = true}
        %dma_wait3A_44 = arith.constant 0 : i32
        %dma_wait3A_45 = arith.constant 0 : i32
        %dma_wait3A_46 = tpu.memref_slice %arg6[%dma_wait3A_44, %dma_wait3A_45] : memref<10000x128xf32, #tpu.memory_space<vmem_shared>> -> memref<10000x128xf32, #tpu.memory_space<vmem_shared>>
        tpu.wait_indirect_dma semaphore(%run_scoped3A : memref<!tpu.dma_semaphore, #tpu.memory_space<semaphore_mem>>) src(%arg10 : memref<80x128xf32, #tpu.memory_space<vmem>>) dst(%dma_wait3A_46 : memref<10000x128xf32, #tpu.memory_space<vmem_shared>>)
        tpu.yield
      }) : () -> ()
    }
    %scan3A_22 = arith.constant 125 : i32
    %barrier3A_23 = arith.constant 0 : index
    tpu.barrier barrier_id(%barrier3A_23)
    %mul3A_24 = arith.constant 624 : i32
    %mul3A_25 = arith.muli %arg1, %mul3A_24 : i32
    %mul3A_26 = arith.constant 624 : i32
    %mul3A_27 = arith.muli %arg1, %mul3A_26 : i32
    "tpu.region"() ({
      %run_scoped3A = tpu.sem_alloc : memref<!tpu.dma_semaphore, #tpu.memory_space<semaphore_mem>>
      %dma_start3A = arith.constant 0 : i32
      %dma_start3A_33 = tpu.memref_slice %arg5[%arg0, %mul3A_27, %dma_start3A] : memref<2x10000x128xf32, #tpu.memory_space<hbm>> -> memref<1x624x128xf32, #tpu.memory_space<hbm>>
      %dma_start3A_34 = tpu.memref_squeeze %dma_start3A_33 : memref<1x624x128xf32, #tpu.memory_space<hbm>> -> memref<624x128xf32, #tpu.memory_space<hbm>>
      %dma_start3A_35 = arith.constant 0 : i32
      %dma_start3A_36 = tpu.memref_slice %arg6[%mul3A_25, %dma_start3A_35] : memref<10000x128xf32, #tpu.memory_space<vmem_shared>> -> memref<624x128xf32, #tpu.memory_space<vmem_shared>>
      tpu.enqueue_dma source(%dma_start3A_36 : memref<624x128xf32, #tpu.memory_space<vmem_shared>>) target(%dma_start3A_34 : memref<624x128xf32, #tpu.memory_space<hbm>>) target_semaphore(%run_scoped3A : memref<!tpu.dma_semaphore, #tpu.memory_space<semaphore_mem>>)
      %dma_wait3A = arith.constant 0 : i32
      %dma_wait3A_37 = tpu.memref_slice %arg5[%arg0, %mul3A_27, %dma_wait3A] : memref<2x10000x128xf32, #tpu.memory_space<hbm>> -> memref<1x624x128xf32, #tpu.memory_space<hbm>>
      %dma_wait3A_38 = tpu.memref_squeeze %dma_wait3A_37 : memref<1x624x128xf32, #tpu.memory_space<hbm>> -> memref<624x128xf32, #tpu.memory_space<hbm>>
      %dma_wait3A_39 = arith.constant 0 : i32
      %dma_wait3A_40 = tpu.memref_slice %arg6[%mul3A_25, %dma_wait3A_39] : memref<10000x128xf32, #tpu.memory_space<vmem_shared>> -> memref<624x128xf32, #tpu.memory_space<vmem_shared>>
      tpu.wait_dma2 semaphore(%run_scoped3A : memref<!tpu.dma_semaphore, #tpu.memory_space<semaphore_mem>>) src(%dma_wait3A_40 : memref<624x128xf32, #tpu.memory_space<vmem_shared>>) dst(%dma_wait3A_38 : memref<624x128xf32, #tpu.memory_space<hbm>>)
      tpu.yield
    }) : () -> ()
    %eq3A_28 = arith.constant 0 : i32
    %eq3A_29 = arith.cmpi eq, %arg1, %eq3A_28 : i32
    %convert_element_type3A_30 = arith.extui %eq3A_29 : i1 to i32
    %cond3A_31 = arith.constant 0 : i32
    %cond3A_32 = arith.cmpi ne, %convert_element_type3A_30, %cond3A_31 : i32
    scf.if %cond3A_32 {
      "tpu.region"() ({
        %run_scoped3A = tpu.sem_alloc : memref<!tpu.dma_semaphore, #tpu.memory_space<semaphore_mem>>
        %dma_start3A = arith.constant 9984 : i32
        %dma_start3A_33 = arith.constant 0 : i32
        %dma_start3A_34 = tpu.memref_slice %arg5[%arg0, %dma_start3A, %dma_start3A_33] : memref<2x10000x128xf32, #tpu.memory_space<hbm>> -> memref<1x16x128xf32, #tpu.memory_space<hbm>>
        %dma_start3A_35 = tpu.memref_squeeze %dma_start3A_34 : memref<1x16x128xf32, #tpu.memory_space<hbm>> -> memref<16x128xf32, #tpu.memory_space<hbm>>
        %dma_start3A_36 = arith.constant 9984 : i32
        %dma_start3A_37 = arith.constant 0 : i32
        %dma_start3A_38 = tpu.memref_slice %arg6[%dma_start3A_36, %dma_start3A_37] : memref<10000x128xf32, #tpu.memory_space<vmem_shared>> -> memref<16x128xf32, #tpu.memory_space<vmem_shared>>
        tpu.enqueue_dma source(%dma_start3A_38 : memref<16x128xf32, #tpu.memory_space<vmem_shared>>) target(%dma_start3A_35 : memref<16x128xf32, #tpu.memory_space<hbm>>) target_semaphore(%run_scoped3A : memref<!tpu.dma_semaphore, #tpu.memory_space<semaphore_mem>>)
        %dma_wait3A = arith.constant 9984 : i32
        %dma_wait3A_39 = arith.constant 0 : i32
        %dma_wait3A_40 = tpu.memref_slice %arg5[%arg0, %dma_wait3A, %dma_wait3A_39] : memref<2x10000x128xf32, #tpu.memory_space<hbm>> -> memref<1x16x128xf32, #tpu.memory_space<hbm>>
        %dma_wait3A_41 = tpu.memref_squeeze %dma_wait3A_40 : memref<1x16x128xf32, #tpu.memory_space<hbm>> -> memref<16x128xf32, #tpu.memory_space<hbm>>
        %dma_wait3A_42 = arith.constant 9984 : i32
        %dma_wait3A_43 = arith.constant 0 : i32
        %dma_wait3A_44 = tpu.memref_slice %arg6[%dma_wait3A_42, %dma_wait3A_43] : memref<10000x128xf32, #tpu.memory_space<vmem_shared>> -> memref<16x128xf32, #tpu.memory_space<vmem_shared>>
        tpu.wait_dma2 semaphore(%run_scoped3A : memref<!tpu.dma_semaphore, #tpu.memory_space<semaphore_mem>>) src(%dma_wait3A_44 : memref<16x128xf32, #tpu.memory_space<vmem_shared>>) dst(%dma_wait3A_41 : memref<16x128xf32, #tpu.memory_space<hbm>>)
        tpu.yield
      }) : () -> ()
    } else {
    }
    return
  }
}

#map = affine_map<(d0, d1) -> (0, 0)>
#map1 = affine_map<(d0, d1) -> (0)>
#map2 = affine_map<(d0, d1) -> (0, 0, 0)>
module attributes {stable_mosaic.version = 14 : i64} {
  func.func @seg_kernel(%arg0: i32, %arg1: i32, %arg2: memref<10000x128xf32, #tpu.memory_space<hbm>>, %arg3: memref<320000xi32, #tpu.memory_space<hbm>>, %arg4: memref<320000xi32, #tpu.memory_space<hbm>>, %arg5: memref<2x10000x128xf32, #tpu.memory_space<hbm>>, %arg6: memref<10000x128xf32, #tpu.memory_space<vmem_shared>>, %arg7: memref<312x128xf32, #tpu.memory_space<vmem>>, %arg8: memref<80xi32, #tpu.memory_space<vmem>>, %arg9: memref<80xi32, #tpu.memory_space<vmem>>, %arg10: memref<80x128xf32, #tpu.memory_space<vmem>>, %arg11: memref<!tpu.dma_semaphore, #tpu.memory_space<semaphore_mem>>) attributes {dimension_semantics = [#tpu.dimension_semantics<core_parallel>, #tpu.dimension_semantics<subcore_parallel>], iteration_bounds = array<i64: 2, 16>, scalar_prefetch = 0 : i64, scratch_operands = 6 : i64, tpu.core_type = #tpu.core_type<sc_vector_subcore>, window_params = [{transform_indices = #map}, {transform_indices = #map1}, {transform_indices = #map1}, {transform_indices = #map2}]} {
    %mul3A = arith.constant 16 : i32
    %mul3A_0 = arith.muli %arg0, %mul3A : i32
    %add3A = arith.addi %mul3A_0, %arg1 : i32
    %broadcast_in_dim3A = arith.constant 0.000000e+00 : f32
    %broadcast_in_dim3A_1 = vector.broadcast %broadcast_in_dim3A : f32 to vector<16xf32>
    %scan3A = arith.constant 0 : i32
    %scan3A_2 = arith.constant 0 : i32
    %scan3A_3 = arith.constant 312 : i32
    %scan3A_4 = arith.addi %scan3A_2, %scan3A_3 : i32
    %scan3A_5 = arith.constant 1 : i32
    scf.for %scan3A_33 = %scan3A_2 to %scan3A_4 step %scan3A_5  : i32 {
      %scan3A_34 = arith.constant 0 : i32
      %scan3A_35 = arith.constant 8 : i32
      %scan3A_36 = arith.addi %scan3A_34, %scan3A_35 : i32
      %scan3A_37 = arith.constant 1 : i32
      scf.for %scan3A_39 = %scan3A_34 to %scan3A_36 step %scan3A_37  : i32 {
        %mul3A_40 = arith.constant 16 : i32
        %mul3A_41 = arith.muli %scan3A_39, %mul3A_40 : i32
        %swap3A = arith.index_cast %scan3A_33 : i32 to index
        %swap3A_42 = arith.index_cast %mul3A_41 : i32 to index
        %swap3A_43 = tpu.vector_load %arg7[%swap3A, %swap3A_42] {strides = array<i32>} : memref<312x128xf32, #tpu.memory_space<vmem>>, vector<1x16xf32>,
        %swap3A_44 = vector.shape_cast %swap3A_43 : vector<1x16xf32> to vector<16xf32>
        %swap3A_45 = vector.shape_cast %broadcast_in_dim3A_1 : vector<16xf32> to vector<1x16xf32>
        tpu.vector_store %arg7[%swap3A, %swap3A_42], %swap3A_45 {strides = array<i32>} : memref<312x128xf32, #tpu.memory_space<vmem>>, vector<1x16xf32>,
      }
      %scan3A_38 = arith.constant 8 : i32
    }
    %scan3A_6 = arith.constant 312 : i32
    %scan3A_7 = arith.constant 0 : i32
    %scan3A_8 = arith.constant 0 : i32
    %scan3A_9 = arith.constant 2 : i32
    %scan3A_10 = arith.addi %scan3A_8, %scan3A_9 : i32
    %scan3A_11 = arith.constant 1 : i32
    scf.for %scan3A_33 = %scan3A_8 to %scan3A_10 step %scan3A_11  : i32 {
      %mul3A_34 = arith.constant 624 : i32
      %mul3A_35 = arith.muli %arg1, %mul3A_34 : i32
      %mul3A_36 = arith.constant 312 : i32
      %mul3A_37 = arith.muli %scan3A_33, %mul3A_36 : i32
      %add3A_38 = arith.addi %mul3A_35, %mul3A_37 : i32
      "tpu.region"() ({
        %run_scoped3A = tpu.sem_alloc : memref<!tpu.dma_semaphore, #tpu.memory_space<semaphore_mem>>
        %dma_start3A = arith.constant 0 : i32
        %dma_start3A_39 = tpu.memref_slice %arg6[%add3A_38, %dma_start3A] : memref<10000x128xf32, #tpu.memory_space<vmem_shared>> -> memref<312x128xf32, #tpu.memory_space<vmem_shared>>
        %dma_start3A_40 = arith.constant 0 : i32
        %dma_start3A_41 = tpu.memref_slice %arg6[%add3A_38, %dma_start3A_40] : memref<10000x128xf32, #tpu.memory_space<vmem_shared>> -> memref<312x128xf32, #tpu.memory_space<vmem_shared>>
        tpu.enqueue_dma source(%arg7 : memref<312x128xf32, #tpu.memory_space<vmem>>) target(%dma_start3A_41 : memref<312x128xf32, #tpu.memory_space<vmem_shared>>) target_semaphore(%run_scoped3A : memref<!tpu.dma_semaphore, #tpu.memory_space<semaphore_mem>>)
        %dma_wait3A = arith.constant 0 : i32
        %dma_wait3A_42 = tpu.memref_slice %arg6[%add3A_38, %dma_wait3A] : memref<10000x128xf32, #tpu.memory_space<vmem_shared>> -> memref<312x128xf32, #tpu.memory_space<vmem_shared>>
        %dma_wait3A_43 = arith.constant 0 : i32
        %dma_wait3A_44 = tpu.memref_slice %arg6[%add3A_38, %dma_wait3A_43] : memref<10000x128xf32, #tpu.memory_space<vmem_shared>> -> memref<312x128xf32, #tpu.memory_space<vmem_shared>>
        tpu.wait_dma2 semaphore(%run_scoped3A : memref<!tpu.dma_semaphore, #tpu.memory_space<semaphore_mem>>) src(%arg7 : memref<312x128xf32, #tpu.memory_space<vmem>>) dst(%dma_wait3A_44 : memref<312x128xf32, #tpu.memory_space<vmem_shared>>)
        tpu.yield
      }) : () -> ()
    }
    %scan3A_12 = arith.constant 2 : i32
    %eq3A = arith.constant 0 : i32
    %eq3A_13 = arith.cmpi eq, %arg1, %eq3A : i32
    %convert_element_type3A = arith.extui %eq3A_13 : i1 to i32
    %cond3A = arith.constant 0 : i32
    %cond3A_14 = arith.cmpi ne, %convert_element_type3A, %cond3A : i32
    scf.if %cond3A_14 {
      "tpu.region"() ({
        %run_scoped3A = tpu.sem_alloc : memref<!tpu.dma_semaphore, #tpu.memory_space<semaphore_mem>>
        %dma_start3A = arith.constant 0 : i32
        %dma_start3A_33 = arith.constant 0 : i32
        %dma_start3A_34 = tpu.memref_slice %arg7[%dma_start3A, %dma_start3A_33] : memref<312x128xf32, #tpu.memory_space<vmem>> -> memref<16x128xf32, #tpu.memory_space<vmem>>
        %dma_start3A_35 = arith.constant 9984 : i32
        %dma_start3A_36 = arith.constant 0 : i32
        %dma_start3A_37 = tpu.memref_slice %arg6[%dma_start3A_35, %dma_start3A_36] : memref<10000x128xf32, #tpu.memory_space<vmem_shared>> -> memref<16x128xf32, #tpu.memory_space<vmem_shared>>
        %dma_start3A_38 = arith.constant 9984 : i32
        %dma_start3A_39 = arith.constant 0 : i32
        %dma_start3A_40 = tpu.memref_slice %arg6[%dma_start3A_38, %dma_start3A_39] : memref<10000x128xf32, #tpu.memory_space<vmem_shared>> -> memref<16x128xf32, #tpu.memory_space<vmem_shared>>
        %dma_start3A_41 = arith.constant 0 : i32
        %dma_start3A_42 = arith.constant 0 : i32
        %dma_start3A_43 = tpu.memref_slice %arg7[%dma_start3A_41, %dma_start3A_42] : memref<312x128xf32, #tpu.memory_space<vmem>> -> memref<16x128xf32, #tpu.memory_space<vmem>>
        tpu.enqueue_dma source(%dma_start3A_43 : memref<16x128xf32, #tpu.memory_space<vmem>>) target(%dma_start3A_40 : memref<16x128xf32, #tpu.memory_space<vmem_shared>>) target_semaphore(%run_scoped3A : memref<!tpu.dma_semaphore, #tpu.memory_space<semaphore_mem>>)
        %dma_wait3A = arith.constant 0 : i32
        %dma_wait3A_44 = arith.constant 0 : i32
        %dma_wait3A_45 = tpu.memref_slice %arg7[%dma_wait3A, %dma_wait3A_44] : memref<312x128xf32, #tpu.memory_space<vmem>> -> memref<16x128xf32, #tpu.memory_space<vmem>>
        %dma_wait3A_46 = arith.constant 9984 : i32
        %dma_wait3A_47 = arith.constant 0 : i32
        %dma_wait3A_48 = tpu.memref_slice %arg6[%dma_wait3A_46, %dma_wait3A_47] : memref<10000x128xf32, #tpu.memory_space<vmem_shared>> -> memref<16x128xf32, #tpu.memory_space<vmem_shared>>
        %dma_wait3A_49 = arith.constant 9984 : i32
        %dma_wait3A_50 = arith.constant 0 : i32
        %dma_wait3A_51 = tpu.memref_slice %arg6[%dma_wait3A_49, %dma_wait3A_50] : memref<10000x128xf32, #tpu.memory_space<vmem_shared>> -> memref<16x128xf32, #tpu.memory_space<vmem_shared>>
        %dma_wait3A_52 = arith.constant 0 : i32
        %dma_wait3A_53 = arith.constant 0 : i32
        %dma_wait3A_54 = tpu.memref_slice %arg7[%dma_wait3A_52, %dma_wait3A_53] : memref<312x128xf32, #tpu.memory_space<vmem>> -> memref<16x128xf32, #tpu.memory_space<vmem>>
        tpu.wait_dma2 semaphore(%run_scoped3A : memref<!tpu.dma_semaphore, #tpu.memory_space<semaphore_mem>>) src(%dma_wait3A_54 : memref<16x128xf32, #tpu.memory_space<vmem>>) dst(%dma_wait3A_51 : memref<16x128xf32, #tpu.memory_space<vmem_shared>>)
        tpu.yield
      }) : () -> ()
    } else {
    }
    %barrier3A = arith.constant 0 : index
    tpu.barrier barrier_id(%barrier3A)
    %mul3A_15 = arith.constant 10000 : i32
    %mul3A_16 = arith.muli %add3A, %mul3A_15 : i32
    %scan3A_17 = arith.constant 0 : i32
    %scan3A_18 = arith.constant 0 : i32
    %scan3A_19 = arith.constant 125 : i32
    %scan3A_20 = arith.addi %scan3A_18, %scan3A_19 : i32
    %scan3A_21 = arith.constant 1 : i32
    scf.for %scan3A_33 = %scan3A_18 to %scan3A_20 step %scan3A_21  : i32 {
      %mul3A_34 = arith.constant 80 : i32
      %mul3A_35 = arith.muli %scan3A_33, %mul3A_34 : i32
      %add3A_36 = arith.addi %mul3A_16, %mul3A_35 : i32
      "tpu.region"() ({
        %run_scoped3A = tpu.sem_alloc : memref<!tpu.dma_semaphore, #tpu.memory_space<semaphore_mem>>
        %dma_start3A_41 = tpu.memref_slice %arg3[%add3A_36] : memref<320000xi32, #tpu.memory_space<hbm>> -> memref<80xi32, #tpu.memory_space<hbm>>
        %dma_start3A_42 = tpu.memref_slice %arg3[%add3A_36] : memref<320000xi32, #tpu.memory_space<hbm>> -> memref<80xi32, #tpu.memory_space<hbm>>
        tpu.enqueue_dma source(%dma_start3A_42 : memref<80xi32, #tpu.memory_space<hbm>>) target(%arg8 : memref<80xi32, #tpu.memory_space<vmem>>) target_semaphore(%run_scoped3A : memref<!tpu.dma_semaphore, #tpu.memory_space<semaphore_mem>>)
        %dma_wait3A_43 = tpu.memref_slice %arg3[%add3A_36] : memref<320000xi32, #tpu.memory_space<hbm>> -> memref<80xi32, #tpu.memory_space<hbm>>
        %dma_wait3A_44 = tpu.memref_slice %arg3[%add3A_36] : memref<320000xi32, #tpu.memory_space<hbm>> -> memref<80xi32, #tpu.memory_space<hbm>>
        tpu.wait_dma2 semaphore(%run_scoped3A : memref<!tpu.dma_semaphore, #tpu.memory_space<semaphore_mem>>) src(%dma_wait3A_44 : memref<80xi32, #tpu.memory_space<hbm>>) dst(%arg8 : memref<80xi32, #tpu.memory_space<vmem>>)
        tpu.yield
      }) : () -> ()
      "tpu.region"() ({
        %run_scoped3A = tpu.sem_alloc : memref<!tpu.dma_semaphore, #tpu.memory_space<semaphore_mem>>
        %dma_start3A_41 = tpu.memref_slice %arg4[%add3A_36] : memref<320000xi32, #tpu.memory_space<hbm>> -> memref<80xi32, #tpu.memory_space<hbm>>
        %dma_start3A_42 = tpu.memref_slice %arg4[%add3A_36] : memref<320000xi32, #tpu.memory_space<hbm>> -> memref<80xi32, #tpu.memory_space<hbm>>
        tpu.enqueue_dma source(%dma_start3A_42 : memref<80xi32, #tpu.memory_space<hbm>>) target(%arg9 : memref<80xi32, #tpu.memory_space<vmem>>) target_semaphore(%run_scoped3A : memref<!tpu.dma_semaphore, #tpu.memory_space<semaphore_mem>>)
        %dma_wait3A_43 = tpu.memref_slice %arg4[%add3A_36] : memref<320000xi32, #tpu.memory_space<hbm>> -> memref<80xi32, #tpu.memory_space<hbm>>
        %dma_wait3A_44 = tpu.memref_slice %arg4[%add3A_36] : memref<320000xi32, #tpu.memory_space<hbm>> -> memref<80xi32, #tpu.memory_space<hbm>>
        tpu.wait_dma2 semaphore(%run_scoped3A : memref<!tpu.dma_semaphore, #tpu.memory_space<semaphore_mem>>) src(%dma_wait3A_44 : memref<80xi32, #tpu.memory_space<hbm>>) dst(%arg9 : memref<80xi32, #tpu.memory_space<vmem>>)
        tpu.yield
      }) : () -> ()
      %dma_start3A = arith.constant 0 : i32
      %dma_start3A_37 = arith.constant 0 : i32
      %dma_start3A_38 = tpu.memref_slice %arg2[%dma_start3A, %dma_start3A_37] : memref<10000x128xf32, #tpu.memory_space<hbm>> -> memref<10000x128xf32, #tpu.memory_space<hbm>>
      tpu.enqueue_indirect_dma source(%dma_start3A_38 : memref<10000x128xf32, #tpu.memory_space<hbm>>) target(%arg10 : memref<80x128xf32, #tpu.memory_space<vmem>>) offsets(%arg8 : memref<80xi32, #tpu.memory_space<vmem>>) semaphore(%arg11 : memref<!tpu.dma_semaphore, #tpu.memory_space<semaphore_mem>>)
      %dma_wait3A = arith.constant 0 : i32
      %dma_wait3A_39 = arith.constant 0 : i32
      %dma_wait3A_40 = tpu.memref_slice %arg2[%dma_wait3A, %dma_wait3A_39] : memref<10000x128xf32, #tpu.memory_space<hbm>> -> memref<10000x128xf32, #tpu.memory_space<hbm>>
      tpu.wait_indirect_dma semaphore(%arg11 : memref<!tpu.dma_semaphore, #tpu.memory_space<semaphore_mem>>) src(%dma_wait3A_40 : memref<10000x128xf32, #tpu.memory_space<hbm>>) dst(%arg10 : memref<80x128xf32, #tpu.memory_space<vmem>>)
      "tpu.region"() ({
        %run_scoped3A = tpu.sem_alloc : memref<!tpu.dma_semaphore, #tpu.memory_space<semaphore_mem>>
        %dma_start3A_41 = arith.constant 0 : i32
        %dma_start3A_42 = arith.constant 0 : i32
        %dma_start3A_43 = tpu.memref_slice %arg6[%dma_start3A_41, %dma_start3A_42] : memref<10000x128xf32, #tpu.memory_space<vmem_shared>> -> memref<10000x128xf32, #tpu.memory_space<vmem_shared>>
        tpu.enqueue_indirect_dma source(%arg10 : memref<80x128xf32, #tpu.memory_space<vmem>>) target(%dma_start3A_43 : memref<10000x128xf32, #tpu.memory_space<vmem_shared>>) offsets(%arg9 : memref<80xi32, #tpu.memory_space<vmem>>) semaphore(%run_scoped3A : memref<!tpu.dma_semaphore, #tpu.memory_space<semaphore_mem>>) {add = true}
        %dma_wait3A_44 = arith.constant 0 : i32
        %dma_wait3A_45 = arith.constant 0 : i32
        %dma_wait3A_46 = tpu.memref_slice %arg6[%dma_wait3A_44, %dma_wait3A_45] : memref<10000x128xf32, #tpu.memory_space<vmem_shared>> -> memref<10000x128xf32, #tpu.memory_space<vmem_shared>>
        tpu.wait_indirect_dma semaphore(%run_scoped3A : memref<!tpu.dma_semaphore, #tpu.memory_space<semaphore_mem>>) src(%arg10 : memref<80x128xf32, #tpu.memory_space<vmem>>) dst(%dma_wait3A_46 : memref<10000x128xf32, #tpu.memory_space<vmem_shared>>)
        tpu.yield
      }) : () -> ()
    }
    %scan3A_22 = arith.constant 125 : i32
    %barrier3A_23 = arith.constant 0 : index
    tpu.barrier barrier_id(%barrier3A_23)
    %mul3A_24 = arith.constant 624 : i32
    %mul3A_25 = arith.muli %arg1, %mul3A_24 : i32
    %mul3A_26 = arith.constant 624 : i32
    %mul3A_27 = arith.muli %arg1, %mul3A_26 : i32
    "tpu.region"() ({
      %run_scoped3A = tpu.sem_alloc : memref<!tpu.dma_semaphore, #tpu.memory_space<semaphore_mem>>
      %dma_start3A = arith.constant 0 : i32
      %dma_start3A_33 = tpu.memref_slice %arg5[%arg0, %mul3A_27, %dma_start3A] : memref<2x10000x128xf32, #tpu.memory_space<hbm>> -> memref<1x624x128xf32, #tpu.memory_space<hbm>>
      %dma_start3A_34 = tpu.memref_squeeze %dma_start3A_33 : memref<1x624x128xf32, #tpu.memory_space<hbm>> -> memref<624x128xf32, #tpu.memory_space<hbm>>
      %dma_start3A_35 = arith.constant 0 : i32
      %dma_start3A_36 = tpu.memref_slice %arg6[%mul3A_25, %dma_start3A_35] : memref<10000x128xf32, #tpu.memory_space<vmem_shared>> -> memref<624x128xf32, #tpu.memory_space<vmem_shared>>
      tpu.enqueue_dma source(%dma_start3A_36 : memref<624x128xf32, #tpu.memory_space<vmem_shared>>) target(%dma_start3A_34 : memref<624x128xf32, #tpu.memory_space<hbm>>) target_semaphore(%run_scoped3A : memref<!tpu.dma_semaphore, #tpu.memory_space<semaphore_mem>>)
      %dma_wait3A = arith.constant 0 : i32
      %dma_wait3A_37 = tpu.memref_slice %arg5[%arg0, %mul3A_27, %dma_wait3A] : memref<2x10000x128xf32, #tpu.memory_space<hbm>> -> memref<1x624x128xf32, #tpu.memory_space<hbm>>
      %dma_wait3A_38 = tpu.memref_squeeze %dma_wait3A_37 : memref<1x624x128xf32, #tpu.memory_space<hbm>> -> memref<624x128xf32, #tpu.memory_space<hbm>>
      %dma_wait3A_39 = arith.constant 0 : i32
      %dma_wait3A_40 = tpu.memref_slice %arg6[%mul3A_25, %dma_wait3A_39] : memref<10000x128xf32, #tpu.memory_space<vmem_shared>> -> memref<624x128xf32, #tpu.memory_space<vmem_shared>>
      tpu.wait_dma2 semaphore(%run_scoped3A : memref<!tpu.dma_semaphore, #tpu.memory_space<semaphore_mem>>) src(%dma_wait3A_40 : memref<624x128xf32, #tpu.memory_space<vmem_shared>>) dst(%dma_wait3A_38 : memref<624x128xf32, #tpu.memory_space<hbm>>)
      tpu.yield
    }) : () -> ()
    %eq3A_28 = arith.constant 0 : i32
    %eq3A_29 = arith.cmpi eq, %arg1, %eq3A_28 : i32
    %convert_element_type3A_30 = arith.extui %eq3A_29 : i1 to i32
    %cond3A_31 = arith.constant 0 : i32
    %cond3A_32 = arith.cmpi ne, %convert_element_type3A_30, %cond3A_31 : i32
    scf.if %cond3A_32 {
      "tpu.region"() ({
        %run_scoped3A = tpu.sem_alloc : memref<!tpu.dma_semaphore, #tpu.memory_space<semaphore_mem>>
        %dma_start3A = arith.constant 9984 : i32
        %dma_start3A_33 = arith.constant 0 : i32
        %dma_start3A_34 = tpu.memref_slice %arg5[%arg0, %dma_start3A, %dma_start3A_33] : memref<2x10000x128xf32, #tpu.memory_space<hbm>> -> memref<1x16x128xf32, #tpu.memory_space<hbm>>
        %dma_start3A_35 = tpu.memref_squeeze %dma_start3A_34 : memref<1x16x128xf32, #tpu.memory_space<hbm>> -> memref<16x128xf32, #tpu.memory_space<hbm>>
        %dma_start3A_36 = arith.constant 9984 : i32
        %dma_start3A_37 = arith.constant 0 : i32
        %dma_start3A_38 = tpu.memref_slice %arg6[%dma_start3A_36, %dma_start3A_37] : memref<10000x128xf32, #tpu.memory_space<vmem_shared>> -> memref<16x128xf32, #tpu.memory_space<vmem_shared>>
        tpu.enqueue_dma source(%dma_start3A_38 : memref<16x128xf32, #tpu.memory_space<vmem_shared>>) target(%dma_start3A_35 : memref<16x128xf32, #tpu.memory_space<hbm>>) target_semaphore(%run_scoped3A : memref<!tpu.dma_semaphore, #tpu.memory_space<semaphore_mem>>)
        %dma_wait3A = arith.constant 9984 : i32
        %dma_wait3A_39 = arith.constant 0 : i32
        %dma_wait3A_40 = tpu.memref_slice %arg5[%arg0, %dma_wait3A, %dma_wait3A_39] : memref<2x10000x128xf32, #tpu.memory_space<hbm>> -> memref<1x16x128xf32, #tpu.memory_space<hbm>>
        %dma_wait3A_41 = tpu.memref_squeeze %dma_wait3A_40 : memref<1x16x128xf32, #tpu.memory_space<hbm>> -> memref<16x128xf32, #tpu.memory_space<hbm>>
        %dma_wait3A_42 = arith.constant 9984 : i32
        %dma_wait3A_43 = arith.constant 0 : i32
        %dma_wait3A_44 = tpu.memref_slice %arg6[%dma_wait3A_42, %dma_wait3A_43] : memref<10000x128xf32, #tpu.memory_space<vmem_shared>> -> memref<16x128xf32, #tpu.memory_space<vmem_shared>>
        tpu.wait_dma2 semaphore(%run_scoped3A : memref<!tpu.dma_semaphore, #tpu.memory_space<semaphore_mem>>) src(%dma_wait3A_44 : memref<16x128xf32, #tpu.memory_space<vmem_shared>>) dst(%dma_wait3A_41 : memref<16x128xf32, #tpu.memory_space<hbm>>)
        tpu.yield
      }) : () -> ()
    } else {
    }
    return
  }
}

module attributes {stable_mosaic.version = 14 : i64} {
  func.func @body(%arg0: memref<10000x128xf32, #tpu.memory_space<vmem>>, %arg1: memref<2x10000x128xf32, #tpu.memory_space<vmem>>, %arg2: memref<1x1xf32, #tpu.memory_space<vmem>>, %arg3: memref<128x128xf32, #tpu.memory_space<vmem>>, %arg4: memref<1x128xf32, #tpu.memory_space<vmem>>, %arg5: memref<128x128xf32, #tpu.memory_space<vmem>>, %arg6: memref<1x128xf32, #tpu.memory_space<vmem>>, %arg7: memref<1x128xf32, #tpu.memory_space<vmem>>, %arg8: memref<1x128xf32, #tpu.memory_space<vmem>>, %arg9: memref<10000x128xf32, #tpu.memory_space<vmem>>) attributes {dimension_semantics = [], scalar_prefetch = 0 : i64, scratch_operands = 0 : i64, tpu.core_type = #tpu.core_type<tc>} {
    %get3A = arith.constant 0 : index
    %get3A_0 = arith.constant 0 : index
    %get3A_1 = vector.load %arg0[%get3A, %get3A_0] : memref<10000x128xf32, #tpu.memory_space<vmem>>, vector<10000x128xf32>
    %get3A_2 = arith.constant 0 : index
    %get3A_3 = arith.constant 0 : index
    %get3A_4 = vector.load %arg2[%get3A_2, %get3A_3] : memref<1x1xf32, #tpu.memory_space<vmem>>, vector<1x1xf32>
    %get3A_5 = vector.extract %get3A_4[0, 0] : f32 from vector<1x1xf32>
    %add3A = arith.constant 1.000000e+00 : f32
    %add3A_6 = arith.addf %add3A, %get3A_5 : f32
    %mul3A = vector.broadcast %add3A_6 : f32 to vector<10000x128xf32>
    %mul3A_7 = arith.mulf %get3A_1, %mul3A : vector<10000x128xf32>
    %get3A_8 = arith.constant 0 : index
    %get3A_9 = arith.constant 0 : index
    %get3A_10 = arith.constant 0 : index
    %get3A_11 = vector.load %arg1[%get3A_8, %get3A_9, %get3A_10] : memref<2x10000x128xf32, #tpu.memory_space<vmem>>, vector<1x10000x128xf32>
    %get3A_12 = vector.shape_cast %get3A_11 : vector<1x10000x128xf32> to vector<10000x128xf32>
    %add3A_13 = arith.addf %mul3A_7, %get3A_12 : vector<10000x128xf32>
    %get3A_14 = arith.constant 1 : index
    %get3A_15 = arith.constant 0 : index
    %get3A_16 = arith.constant 0 : index
    %get3A_17 = vector.load %arg1[%get3A_14, %get3A_15, %get3A_16] : memref<2x10000x128xf32, #tpu.memory_space<vmem>>, vector<1x10000x128xf32>
    %get3A_18 = vector.shape_cast %get3A_17 : vector<1x10000x128xf32> to vector<10000x128xf32>
    %add3A_19 = arith.addf %add3A_13, %get3A_18 : vector<10000x128xf32>
    %convert_element_type3A = arith.truncf %add3A_19 : vector<10000x128xf32> to vector<10000x128xbf16>
    %get3A_20 = arith.constant 0 : index
    %get3A_21 = arith.constant 0 : index
    %get3A_22 = vector.load %arg3[%get3A_20, %get3A_21] : memref<128x128xf32, #tpu.memory_space<vmem>>, vector<128x128xf32>
    %convert_element_type3A_23 = arith.truncf %get3A_22 : vector<128x128xf32> to vector<128x128xbf16>
    %dot_general3A = arith.constant dense<0.000000e+00> : vector<10000x128xf32>
    %dot_general3A_24 = tpu.matmul %convert_element_type3A, %convert_element_type3A_23, %dot_general3A {dimension_numbers = #tpu.dot_dimension_numbers<[1], [0], [0], [1], [0, 0, 1, 1], [], []>, transpose_lhs_hint = false} : vector<10000x128xbf16>, vector<128x128xbf16>, vector<10000x128xf32> -> vector<10000x128xf32>
    %get3A_25 = arith.constant 0 : index
    %get3A_26 = arith.constant 0 : index
    %get3A_27 = vector.load %arg4[%get3A_25, %get3A_26] : memref<1x128xf32, #tpu.memory_space<vmem>>, vector<1x128xf32>
    %add3A_28 = vector.broadcast %get3A_27 : vector<1x128xf32> to vector<10000x128xf32>
    %add3A_29 = arith.addf %dot_general3A_24, %add3A_28 : vector<10000x128xf32>
    %max3A = arith.constant 0.000000e+00 : f32
    %max3A_30 = vector.broadcast %max3A : f32 to vector<10000x128xf32>
    %max3A_31 = arith.maximumf %add3A_29, %max3A_30 : vector<10000x128xf32>
    %convert_element_type3A_32 = arith.truncf %max3A_31 : vector<10000x128xf32> to vector<10000x128xbf16>
    %get3A_33 = arith.constant 0 : index
    %get3A_34 = arith.constant 0 : index
    %get3A_35 = vector.load %arg5[%get3A_33, %get3A_34] : memref<128x128xf32, #tpu.memory_space<vmem>>, vector<128x128xf32>
    %convert_element_type3A_36 = arith.truncf %get3A_35 : vector<128x128xf32> to vector<128x128xbf16>
    %dot_general3A_37 = arith.constant dense<0.000000e+00> : vector<10000x128xf32>
    %dot_general3A_38 = tpu.matmul %convert_element_type3A_32, %convert_element_type3A_36, %dot_general3A_37 {dimension_numbers = #tpu.dot_dimension_numbers<[1], [0], [0], [1], [0, 0, 1, 1], [], []>, transpose_lhs_hint = false} : vector<10000x128xbf16>, vector<128x128xbf16>, vector<10000x128xf32> -> vector<10000x128xf32>
    %get3A_39 = arith.constant 0 : index
    %get3A_40 = arith.constant 0 : index
    %get3A_41 = vector.load %arg6[%get3A_39, %get3A_40] : memref<1x128xf32, #tpu.memory_space<vmem>>, vector<1x128xf32>
    %add3A_42 = vector.broadcast %get3A_41 : vector<1x128xf32> to vector<10000x128xf32>
    %add3A_43 = arith.addf %dot_general3A_38, %add3A_42 : vector<10000x128xf32>
    %max3A_44 = arith.constant 0.000000e+00 : f32
    %max3A_45 = vector.broadcast %max3A_44 : f32 to vector<10000x128xf32>
    %max3A_46 = arith.maximumf %add3A_43, %max3A_45 : vector<10000x128xf32>
    %reduce_sum3A = arith.constant dense<0.000000e+00> : vector<128xf32>
    %reduce_sum3A_47 = vector.multi_reduction <add>, %max3A_46, %reduce_sum3A [0] : vector<10000x128xf32> to vector<128xf32>
    %broadcast_in_dim3A = vector.shape_cast %reduce_sum3A_47 : vector<128xf32> to vector<1x128xf32>
    %div3A = arith.constant 1.000000e+04 : f32
    %div3A_48 = vector.broadcast %div3A : f32 to vector<1x128xf32>
    %div3A_49 = arith.divf %broadcast_in_dim3A, %div3A_48 : vector<1x128xf32>
    %sub3A = vector.broadcast %div3A_49 : vector<1x128xf32> to vector<10000x128xf32>
    %sub3A_50 = arith.subf %max3A_46, %sub3A : vector<10000x128xf32>
    %mul3A_51 = arith.mulf %sub3A_50, %sub3A_50 : vector<10000x128xf32>
    %reduce_sum3A_52 = arith.constant dense<0.000000e+00> : vector<128xf32>
    %reduce_sum3A_53 = vector.multi_reduction <add>, %mul3A_51, %reduce_sum3A_52 [0] : vector<10000x128xf32> to vector<128xf32>
    %broadcast_in_dim3A_54 = vector.shape_cast %reduce_sum3A_53 : vector<128xf32> to vector<1x128xf32>
    %div3A_55 = arith.constant 1.000000e+04 : f32
    %div3A_56 = vector.broadcast %div3A_55 : f32 to vector<1x128xf32>
    %div3A_57 = arith.divf %broadcast_in_dim3A_54, %div3A_56 : vector<1x128xf32>
    %add3A_58 = arith.constant 9.99999974E-6 : f32
    %add3A_59 = vector.broadcast %add3A_58 : f32 to vector<1x128xf32>
    %add3A_60 = arith.addf %div3A_57, %add3A_59 : vector<1x128xf32>
    %rsqrt3A = math.rsqrt %add3A_60 : vector<1x128xf32>
    %mul3A_61 = vector.broadcast %rsqrt3A : vector<1x128xf32> to vector<10000x128xf32>
    %mul3A_62 = arith.mulf %sub3A_50, %mul3A_61 : vector<10000x128xf32>
    %get3A_63 = arith.constant 0 : index
    %get3A_64 = arith.constant 0 : index
    %get3A_65 = vector.load %arg7[%get3A_63, %get3A_64] : memref<1x128xf32, #tpu.memory_space<vmem>>, vector<1x128xf32>
    %mul3A_66 = vector.broadcast %get3A_65 : vector<1x128xf32> to vector<10000x128xf32>
    %mul3A_67 = arith.mulf %mul3A_62, %mul3A_66 : vector<10000x128xf32>
    %get3A_68 = arith.constant 0 : index
    %get3A_69 = arith.constant 0 : index
    %get3A_70 = vector.load %arg8[%get3A_68, %get3A_69] : memref<1x128xf32, #tpu.memory_space<vmem>>, vector<1x128xf32>
    %add3A_71 = vector.broadcast %get3A_70 : vector<1x128xf32> to vector<10000x128xf32>
    %add3A_72 = arith.addf %mul3A_67, %add3A_71 : vector<10000x128xf32>
    %max3A_73 = arith.constant 0.000000e+00 : f32
    %max3A_74 = vector.broadcast %max3A_73 : f32 to vector<10000x128xf32>
    %max3A_75 = arith.maximumf %add3A_72, %max3A_74 : vector<10000x128xf32>
    %swap3A = arith.constant 0 : index
    %swap3A_76 = arith.constant 0 : index
    %swap3A_77 = vector.load %arg9[%swap3A, %swap3A_76] : memref<10000x128xf32, #tpu.memory_space<vmem>>, vector<10000x128xf32>
    tpu.vector_store %arg9[%swap3A, %swap3A_76], %max3A_75 {strides = array<i32>} : memref<10000x128xf32, #tpu.memory_space<vmem>>, vector<10000x128xf32>,
    return
  }
}

module attributes {stable_mosaic.version = 14 : i64} {
  func.func @body(%arg0: memref<10000x128xf32, #tpu.memory_space<vmem>>, %arg1: memref<2x10000x128xf32, #tpu.memory_space<vmem>>, %arg2: memref<1x1xf32, #tpu.memory_space<vmem>>, %arg3: memref<128x128xf32, #tpu.memory_space<vmem>>, %arg4: memref<1x128xf32, #tpu.memory_space<vmem>>, %arg5: memref<128x128xf32, #tpu.memory_space<vmem>>, %arg6: memref<1x128xf32, #tpu.memory_space<vmem>>, %arg7: memref<1x128xf32, #tpu.memory_space<vmem>>, %arg8: memref<1x128xf32, #tpu.memory_space<vmem>>, %arg9: memref<128x128xf32, #tpu.memory_space<vmem>>, %arg10: memref<1x128xf32, #tpu.memory_space<vmem>>, %arg11: memref<10000x128xf32, #tpu.memory_space<vmem>>) attributes {dimension_semantics = [], scalar_prefetch = 0 : i64, scratch_operands = 0 : i64, tpu.core_type = #tpu.core_type<tc>} {
    %get3A = arith.constant 0 : index
    %get3A_0 = arith.constant 0 : index
    %get3A_1 = vector.load %arg0[%get3A, %get3A_0] : memref<10000x128xf32, #tpu.memory_space<vmem>>, vector<10000x128xf32>
    %get3A_2 = arith.constant 0 : index
    %get3A_3 = arith.constant 0 : index
    %get3A_4 = vector.load %arg2[%get3A_2, %get3A_3] : memref<1x1xf32, #tpu.memory_space<vmem>>, vector<1x1xf32>
    %get3A_5 = vector.extract %get3A_4[0, 0] : f32 from vector<1x1xf32>
    %add3A = arith.constant 1.000000e+00 : f32
    %add3A_6 = arith.addf %add3A, %get3A_5 : f32
    %mul3A = vector.broadcast %add3A_6 : f32 to vector<10000x128xf32>
    %mul3A_7 = arith.mulf %get3A_1, %mul3A : vector<10000x128xf32>
    %get3A_8 = arith.constant 0 : index
    %get3A_9 = arith.constant 0 : index
    %get3A_10 = arith.constant 0 : index
    %get3A_11 = vector.load %arg1[%get3A_8, %get3A_9, %get3A_10] : memref<2x10000x128xf32, #tpu.memory_space<vmem>>, vector<1x10000x128xf32>
    %get3A_12 = vector.shape_cast %get3A_11 : vector<1x10000x128xf32> to vector<10000x128xf32>
    %add3A_13 = arith.addf %mul3A_7, %get3A_12 : vector<10000x128xf32>
    %get3A_14 = arith.constant 1 : index
    %get3A_15 = arith.constant 0 : index
    %get3A_16 = arith.constant 0 : index
    %get3A_17 = vector.load %arg1[%get3A_14, %get3A_15, %get3A_16] : memref<2x10000x128xf32, #tpu.memory_space<vmem>>, vector<1x10000x128xf32>
    %get3A_18 = vector.shape_cast %get3A_17 : vector<1x10000x128xf32> to vector<10000x128xf32>
    %add3A_19 = arith.addf %add3A_13, %get3A_18 : vector<10000x128xf32>
    %convert_element_type3A = arith.truncf %add3A_19 : vector<10000x128xf32> to vector<10000x128xbf16>
    %get3A_20 = arith.constant 0 : index
    %get3A_21 = arith.constant 0 : index
    %get3A_22 = vector.load %arg3[%get3A_20, %get3A_21] : memref<128x128xf32, #tpu.memory_space<vmem>>, vector<128x128xf32>
    %convert_element_type3A_23 = arith.truncf %get3A_22 : vector<128x128xf32> to vector<128x128xbf16>
    %dot_general3A = arith.constant dense<0.000000e+00> : vector<10000x128xf32>
    %dot_general3A_24 = tpu.matmul %convert_element_type3A, %convert_element_type3A_23, %dot_general3A {dimension_numbers = #tpu.dot_dimension_numbers<[1], [0], [0], [1], [0, 0, 1, 1], [], []>, transpose_lhs_hint = false} : vector<10000x128xbf16>, vector<128x128xbf16>, vector<10000x128xf32> -> vector<10000x128xf32>
    %get3A_25 = arith.constant 0 : index
    %get3A_26 = arith.constant 0 : index
    %get3A_27 = vector.load %arg4[%get3A_25, %get3A_26] : memref<1x128xf32, #tpu.memory_space<vmem>>, vector<1x128xf32>
    %add3A_28 = vector.broadcast %get3A_27 : vector<1x128xf32> to vector<10000x128xf32>
    %add3A_29 = arith.addf %dot_general3A_24, %add3A_28 : vector<10000x128xf32>
    %max3A = arith.constant 0.000000e+00 : f32
    %max3A_30 = vector.broadcast %max3A : f32 to vector<10000x128xf32>
    %max3A_31 = arith.maximumf %add3A_29, %max3A_30 : vector<10000x128xf32>
    %convert_element_type3A_32 = arith.truncf %max3A_31 : vector<10000x128xf32> to vector<10000x128xbf16>
    %get3A_33 = arith.constant 0 : index
    %get3A_34 = arith.constant 0 : index
    %get3A_35 = vector.load %arg5[%get3A_33, %get3A_34] : memref<128x128xf32, #tpu.memory_space<vmem>>, vector<128x128xf32>
    %convert_element_type3A_36 = arith.truncf %get3A_35 : vector<128x128xf32> to vector<128x128xbf16>
    %dot_general3A_37 = arith.constant dense<0.000000e+00> : vector<10000x128xf32>
    %dot_general3A_38 = tpu.matmul %convert_element_type3A_32, %convert_element_type3A_36, %dot_general3A_37 {dimension_numbers = #tpu.dot_dimension_numbers<[1], [0], [0], [1], [0, 0, 1, 1], [], []>, transpose_lhs_hint = false} : vector<10000x128xbf16>, vector<128x128xbf16>, vector<10000x128xf32> -> vector<10000x128xf32>
    %get3A_39 = arith.constant 0 : index
    %get3A_40 = arith.constant 0 : index
    %get3A_41 = vector.load %arg6[%get3A_39, %get3A_40] : memref<1x128xf32, #tpu.memory_space<vmem>>, vector<1x128xf32>
    %add3A_42 = vector.broadcast %get3A_41 : vector<1x128xf32> to vector<10000x128xf32>
    %add3A_43 = arith.addf %dot_general3A_38, %add3A_42 : vector<10000x128xf32>
    %max3A_44 = arith.constant 0.000000e+00 : f32
    %max3A_45 = vector.broadcast %max3A_44 : f32 to vector<10000x128xf32>
    %max3A_46 = arith.maximumf %add3A_43, %max3A_45 : vector<10000x128xf32>
    %reduce_sum3A = arith.constant dense<0.000000e+00> : vector<128xf32>
    %reduce_sum3A_47 = vector.multi_reduction <add>, %max3A_46, %reduce_sum3A [0] : vector<10000x128xf32> to vector<128xf32>
    %broadcast_in_dim3A = vector.shape_cast %reduce_sum3A_47 : vector<128xf32> to vector<1x128xf32>
    %div3A = arith.constant 1.000000e+04 : f32
    %div3A_48 = vector.broadcast %div3A : f32 to vector<1x128xf32>
    %div3A_49 = arith.divf %broadcast_in_dim3A, %div3A_48 : vector<1x128xf32>
    %sub3A = vector.broadcast %div3A_49 : vector<1x128xf32> to vector<10000x128xf32>
    %sub3A_50 = arith.subf %max3A_46, %sub3A : vector<10000x128xf32>
    %mul3A_51 = arith.mulf %sub3A_50, %sub3A_50 : vector<10000x128xf32>
    %reduce_sum3A_52 = arith.constant dense<0.000000e+00> : vector<128xf32>
    %reduce_sum3A_53 = vector.multi_reduction <add>, %mul3A_51, %reduce_sum3A_52 [0] : vector<10000x128xf32> to vector<128xf32>
    %broadcast_in_dim3A_54 = vector.shape_cast %reduce_sum3A_53 : vector<128xf32> to vector<1x128xf32>
    %div3A_55 = arith.constant 1.000000e+04 : f32
    %div3A_56 = vector.broadcast %div3A_55 : f32 to vector<1x128xf32>
    %div3A_57 = arith.divf %broadcast_in_dim3A_54, %div3A_56 : vector<1x128xf32>
    %add3A_58 = arith.constant 9.99999974E-6 : f32
    %add3A_59 = vector.broadcast %add3A_58 : f32 to vector<1x128xf32>
    %add3A_60 = arith.addf %div3A_57, %add3A_59 : vector<1x128xf32>
    %rsqrt3A = math.rsqrt %add3A_60 : vector<1x128xf32>
    %mul3A_61 = vector.broadcast %rsqrt3A : vector<1x128xf32> to vector<10000x128xf32>
    %mul3A_62 = arith.mulf %sub3A_50, %mul3A_61 : vector<10000x128xf32>
    %get3A_63 = arith.constant 0 : index
    %get3A_64 = arith.constant 0 : index
    %get3A_65 = vector.load %arg7[%get3A_63, %get3A_64] : memref<1x128xf32, #tpu.memory_space<vmem>>, vector<1x128xf32>
    %mul3A_66 = vector.broadcast %get3A_65 : vector<1x128xf32> to vector<10000x128xf32>
    %mul3A_67 = arith.mulf %mul3A_62, %mul3A_66 : vector<10000x128xf32>
    %get3A_68 = arith.constant 0 : index
    %get3A_69 = arith.constant 0 : index
    %get3A_70 = vector.load %arg8[%get3A_68, %get3A_69] : memref<1x128xf32, #tpu.memory_space<vmem>>, vector<1x128xf32>
    %add3A_71 = vector.broadcast %get3A_70 : vector<1x128xf32> to vector<10000x128xf32>
    %add3A_72 = arith.addf %mul3A_67, %add3A_71 : vector<10000x128xf32>
    %max3A_73 = arith.constant 0.000000e+00 : f32
    %max3A_74 = vector.broadcast %max3A_73 : f32 to vector<10000x128xf32>
    %max3A_75 = arith.maximumf %add3A_72, %max3A_74 : vector<10000x128xf32>
    %convert_element_type3A_76 = arith.truncf %max3A_75 : vector<10000x128xf32> to vector<10000x128xbf16>
    %get3A_77 = arith.constant 0 : index
    %get3A_78 = arith.constant 0 : index
    %get3A_79 = vector.load %arg9[%get3A_77, %get3A_78] : memref<128x128xf32, #tpu.memory_space<vmem>>, vector<128x128xf32>
    %convert_element_type3A_80 = arith.truncf %get3A_79 : vector<128x128xf32> to vector<128x128xbf16>
    %dot_general3A_81 = arith.constant dense<0.000000e+00> : vector<10000x128xf32>
    %dot_general3A_82 = tpu.matmul %convert_element_type3A_76, %convert_element_type3A_80, %dot_general3A_81 {dimension_numbers = #tpu.dot_dimension_numbers<[1], [0], [0], [1], [0, 0, 1, 1], [], []>, transpose_lhs_hint = false} : vector<10000x128xbf16>, vector<128x128xbf16>, vector<10000x128xf32> -> vector<10000x128xf32>
    %get3A_83 = arith.constant 0 : index
    %get3A_84 = arith.constant 0 : index
    %get3A_85 = vector.load %arg10[%get3A_83, %get3A_84] : memref<1x128xf32, #tpu.memory_space<vmem>>, vector<1x128xf32>
    %add3A_86 = vector.broadcast %get3A_85 : vector<1x128xf32> to vector<10000x128xf32>
    %add3A_87 = arith.addf %dot_general3A_82, %add3A_86 : vector<10000x128xf32>
    %swap3A = arith.constant 0 : index
    %swap3A_88 = arith.constant 0 : index
    %swap3A_89 = vector.load %arg11[%swap3A, %swap3A_88] : memref<10000x128xf32, #tpu.memory_space<vmem>>, vector<10000x128xf32>
    tpu.vector_store %arg11[%swap3A, %swap3A_88], %add3A_87 {strides = array<i32>} : memref<10000x128xf32, #tpu.memory_space<vmem>>, vector<10000x128xf32>,
    return
  }
}

</mosaic_0001>

<sc_bundles>
// kernel: gather_offload_async_start.1
scs
__scs_entry_jumppad:
0x0: {  	(pc) =	sbr.rel $0x88, $3  }
0x1: {  	(tag) =	ssettag $0x0;
	lr =	simm.s32 $0x1  }
0x2: {  	[smem:$0x3F88] =	sst lr;
	_ =	strace $0xD0000000  }
0x3: {  	_ = 	snop  }
0x4: {  	_ = 	snop  }
0x5: {  	_ = 	snop  }
0x6: {  	_ = 	snop  }
0x7: {  	_ = 	snop  }
__scs_overlays_trampoline_lowered:
0x8: {  	[smem:$0x3F97] =	sst s0  }
0x9: {  	[smem:$0x3F98] =	sst s1  }
0xa: {  	[smem:$0x3F99] =	sst s2  }
0xb: {  	[smem:$0x3F9A] =	sst s3  }
0xc: {  	[smem:$0x3F9B] =	sst s4  }
0xd: {  	[smem:$0x3F9C] =	sst s5  }
0xe: {  	[smem:$0x3F9D] =	sst s6  }
0xf: {  	[smem:$0x3F9E] =	sst s7  }
0x10: {  	[smem:$0x3F9F] =	sst s8  }
0x11: {  	[smem:$0x3FA0] =	sst s9;
	s0 =	simm.s32 @!p0 $0x0  }
0x12: {  	s1 =	sld [smem:$0x3F86];
	s0 =	simm.s32 @p0 $0x1  }
0x13: {  	[smem:$0x3FA1] =	sst s0;
	s0 =	simm.s32 @!p1 $0x0  }
0x14: {  	s2 =	sld [smem:$0x3F85];
	s0 =	simm.s32 @p1 $0x1  }
0x15: {  	[smem:$0x3FA2] =	sst s0;
	s0 =	simm.s32 @!p2 $0x0  }
0x16: {  	s3 =	sld [smem:$0x3FDB];
	s0 =	simm.s32 @p2 $0x1  }
0x17: {  	s4 =	simm.s32 $0x1BF5;
	[smem:$0x3FA4] =	sst s0  }
0x18: {  	s0 =	sld [smem:$0x3F87];
	_ =	swait.ge [sflag:s4], $0x0  }
0x19: {  	s7 =	sld [smem:$0x3F88]  }
0x1a: {  	s8 =	sadd.s32 $0xFFFFE003, lr  }
0x1b: {  	s9 =	sadd.s32 $0xFFFFFEF7, lr;
	s5 =	simm.s32 $0xFFFFFFFF;
	p2 =	slt.u32 s8, $0xFFFFF086  }
0x1c: {  	p1 =	slt.u32 s9, $0xF7A;
	s5 =	simm.s32 @!p2 $0x0  }
0x1d: {  	s5 =	simm.s32 @p1 $0x1;
	p0 =	seq.s32 s7, s2  }
0x1e: {  	s7 =	smul.u32 @!p0 $0xF7A, s2;
	p2 =	seq.s32 @!p0 s5, $0x0  }
0x1f: {  	s9 =	smul.u32 $0xF7A, s1;
	s8 =	simm.s32 @!p0 $0x1BF5;
	p2 =	por !p2, p0  }
0x20: {  	[sflag:s8] =	ssyncset.s32 @!p0 $0xFFFFF086;
	s6 =	sadd.s32 @!p0 s3, s7;
	s7 =	simm.s32 @!p0 $0x108  }
0x21: {  	s3 =	sadd.s32 s3, s9;
	s6 =	sadd.s32 @!p0 $0x88, s6;
	s7 =	simm.s32 @p2 $0x1082  }
0x22: {  	[simem:s7], [sflag:s8] =	dma.local @!p0 [hbm:s6], $0xF7A  }
0x23: {  	s9 =	sor.u32 $0xD0000000, s2;
	s6 =	simm.s32 $0x108;
	_ =	swait.ge @!p0 [sflag:s8], $0x0  }
0x24: {  	s3 =	sadd.s32 $0x88, s3;
	s6 =	simm.s32 @!p1 $0x1082;
	[sflag:s4] =	ssyncset.s32 $0xFFFFF086  }
0x25: {  	[simem:s6], [sflag:s4] =	dma.local [hbm:s3], $0xF7A  }
0x26: {  	[smem:$0x3F88] =	sst s1;
	(tag) =	ssettag s2;
	_ =	strace s9  }
0x27: {  	s1 =	sld [smem:$0x3F98]  }
0x28: {  	s2 =	sld [smem:$0x3F99]  }
0x29: {  	s4 =	sld [smem:$0x3F9B]  }
0x2a: {  	p0 =	seq.s32 s5, $0x0;
	s5 =	sld [smem:$0x3F9C]  }
0x2b: {  	s6 =	sld [smem:$0x3F9D]  }
0x2c: {  	s7 =	sld [smem:$0x3F9E]  }
0x2d: {  	s3 =	simm.s32 $0x108;
	s8 =	sld [smem:$0x3F9F]  }
0x2e: {  	s3 =	simm.s32 @!p0 $0x1082;
	s9 =	sld [smem:$0x3FA0]  }
0x2f: {  	lr =	sadd.s32 s0, s3;
	s0 =	sld [smem:$0x3F97]  }
0x30: {  	s3 =	sld [smem:$0x3F9A]  }
0x31: {  	[smem:$0x3FA3] =	sst s10  }
0x32: {  	s10 =	sld [smem:$0x3FA1];
	_ =	sdelay $0x3  }
0x33: {  	p0 =	seq.s32 s10, $0x1;
	s10 =	sld [smem:$0x3FA3];
	_ =	sdelay $0x3  }
0x34: {  	[smem:$0x3FA3] =	sst s10  }
0x35: {  	s10 =	sld [smem:$0x3FA2];
	_ =	sdelay $0x3  }
0x36: {  	p1 =	seq.s32 s10, $0x1;
	s10 =	sld [smem:$0x3FA3];
	_ =	sdelay $0x3  }
0x37: {  	[smem:$0x3FA3] =	sst s10  }
0x38: {  	s10 =	sld [smem:$0x3FA4]  }
0x39: {  	_ = 	snop;
	(pc) =	sbr.ind lr, $3  }
0x3a: {  	_ = 	snop  }
0x3b: {  	_ = 	snop  }
0x3c: {  	p2 =	seq.s32 s10, $0x1;
	s10 =	sld [smem:$0x3FA3]  }
0x3d: {  	_ =	shalt  }
0x3e: {  	_ =	shalt  }
0x3f: {  	_ =	shalt  }
0x40: {  	_ =	shalt  }
0x41: {  	_ =	shalt  }
0x42: {  	_ =	shalt  }
0x43: {  	_ =	shalt  }
0x44: {  	_ =	shalt  }
0x45: {  	_ =	shalt  }
0x46: {  	_ =	shalt  }
0x47: {  	_ =	shalt  }
0x48: {  	_ =	shalt  }
0x49: {  	_ =	shalt  }
0x4a: {  	_ =	shalt  }
0x4b: {  	_ =	shalt  }
0x4c: {  	_ =	shalt  }
0x4d: {  	_ =	shalt  }
0x4e: {  	_ =	shalt  }
0x4f: {  	_ =	shalt  }
0x50: {  	_ =	shalt  }
0x51: {  	_ =	shalt  }
0x52: {  	_ =	shalt  }
0x53: {  	_ =	shalt  }
0x54: {  	_ =	shalt  }
0x55: {  	_ =	shalt  }
0x56: {  	_ =	shalt  }
0x57: {  	_ =	shalt  }
0x58: {  	_ =	shalt  }
0x59: {  	_ =	shalt  }
0x5a: {  	_ =	shalt  }
0x5b: {  	_ =	shalt  }
0x5c: {  	_ =	shalt  }
0x5d: {  	_ =	shalt  }
0x5e: {  	_ =	shalt  }
0x5f: {  	_ =	shalt  }
0x60: {  	_ =	shalt  }
0x61: {  	_ =	shalt  }
0x62: {  	_ =	shalt  }
0x63: {  	_ =	shalt  }
0x64: {  	_ =	shalt  }
0x65: {  	_ =	shalt  }
0x66: {  	_ =	shalt  }
0x67: {  	_ =	shalt  }
0x68: {  	_ =	shalt  }
0x69: {  	_ =	shalt  }
0x6a: {  	_ =	shalt  }
0x6b: {  	_ =	shalt  }
0x6c: {  	_ =	shalt  }
0x6d: {  	_ =	shalt  }
0x6e: {  	_ =	shalt  }
0x6f: {  	_ =	shalt  }
0x70: {  	_ =	shalt  }
0x71: {  	_ =	shalt  }
0x72: {  	_ =	shalt  }
0x73: {  	_ =	shalt  }
0x74: {  	_ =	shalt  }
0x75: {  	_ =	shalt  }
0x76: {  	_ =	shalt  }
0x77: {  	_ =	shalt  }
0x78: {  	_ =	shalt  }
0x79: {  	_ =	shalt  }
0x7a: {  	_ =	shalt  }
0x7b: {  	_ =	shalt  }
0x7c: {  	_ =	shalt  }
0x7d: {  	_ =	shalt  }
0x7e: {  	_ =	shalt  }
0x7f: {  	_ =	shalt  }
0x80: {  	_ =	shalt  }
0x81: {  	_ =	shalt  }
0x82: {  	_ =	shalt  }
0x83: {  	_ =	shalt  }
0x84: {  	_ =	shalt  }
0x85: {  	_ =	shalt  }
0x86: {  	_ =	shalt  }
0x87: {  	_ =	shalt  }
.Lfunc_end0:
.L_simem_size_0:
called_computation.1_lowered:
.L_overlay_start_0:
0x88: {  	s2 =	sld [smem:$0x3FD9]  }
0x89: {  	s3 =	sld [smem:$0x3FFE];
	_ =	sdelay $0x1  }
0x8a: {  	s1 =	srdreg.scid  }
0x8b: {  	s0 =	sand.u32 $0x1, s1  }
0x8c: {  	s16 =	sshll.u32 s0, $0xA;
	s2 =	sadd.s32 s3, s2  }
0x8d: {  	s2 =	sadd.s32 s2, s16  }
0x8e: {  	[smem:$0x3FAF] =	sst s2  }
0x8f: {  	_ = 	snop  }
0x90: {  	(tm) =	ssettm $0x1  }
0x91: {  	s17 =	sld [smem:$0x3FFB];
	_ =	sdelay $0x3  }
0x92: {  	_ =	strace s17  }
0x93: {  	s2 =	sld [smem:$0x3FFC];
	_ =	sdelay $0x3  }
0x94: {  	_ =	strace s2  }
0x95: {  	s2 =	sld [smem:$0x3FFD];
	_ =	sdelay $0x3  }
0x96: {  	_ =	strace s2  }
0x97: {  	_ =	strace $0x8FFFFFFF  }
0x98: {  	s18 =	sld [smem:$0x3FDB];
	_ =	sdelay $0x1  }
0x99: {  	s19 =	simm.s32 $_scs_section_size  }
0x9a: {  	s4 =	simm.s32 $_size__tile_overlayer_lowered;
	s5 =	simm.s32 $_tile_overlayer_lowered  }
0x9b: {  	s22 =	simm.s32 $0x1BFF;
	s21 =	sshll.u32 s5, $0x1;
	s2 =	sadd.s32 s19, s18  }
0x9c: {  	s6 =	simm.s32 $0x0;
	s20 =	sshll.u32 s4, $0x1;
	s4 =	sadd.s32 s21, s2  }
0x9d: {  	[timem:s6], [sflag:s22] =	dma.local [hbm:s4], s20  }
0x9e: {  	_ =	swait.ge [sflag:s22], s20  }
0x9f: {  	s3 =	ssub.s32 $0x0, s20;
	[sflag:s22] =	ssyncset.done $0x0  }
0xa0: {  	[sflag:s22] =	ssyncadd.s32 s3;
	_ =	sdelay $0x1  }
0xa1: {  	s23 =	simm.s32 $0x1B8B  }
0xa2: {  	_ =	swait.ge [sflag:s23], $0x1  }
0xa3: {  	[sflag:s23] =	ssyncset.done $0x0  }
0xa4: {  	s25 =	simm.s32 $0x1B8E;
	s24 =	sld [smem:$0x3FFE];
	[sflag:s23] =	ssyncadd.s32 $0xFFFFFFFF  }
0xa5: {  	s26 =	simm.s32 $execute0_lowered;
	[smem:$0x3FD2] =	sst s25  }
0xa6: {  	s4 =	sshll.u32 s26, $0x1;
	_ =	strace $0x80000046;
	[dreg:$0x1] =	wrdreg $0xFFFFFFFF  }
0xa7: {  	s28 =	simm.s32 $_size_execute0_lowered;
	s2 =	sadd.s32 s2, s4;
	[dreg:$0x0] =	wrdreg $0x0  }
0xa8: {  	s4 =	sshll.u32 s28, $0x1;
	[dreg:$0x2] =	wrdreg s2  }
0xa9: {  	[dreg:$0x3] =	wrdreg s4  }
0xaa: {  	[dreg:$0x4] =	wrdreg $0xC0  }
0xab: {  	_ =	task [dreg:s6], $0x5FFFF  }
0xac: {  	[dreg:$0x1] =	wrdreg $0xFFFFFFFF  }
0xad: {  	[dreg:$0x0] =	wrdreg $0x60  }
0xae: {  	[dreg:$0x2] =	wrdreg s24  }
0xaf: {  	[dreg:$0x3] =	wrdreg $0xA  }
0xb0: {  	_ =	task.clear_ibuf [dreg:s6], $0x4FFFF;
	_ =	strace $0x90000046  }
0xb1: {  	s29 =	simm.s32 $0xA;
	_ =	strace $0x80000048  }
0xb2: {  	_ =	swait.ge [sflag:s29], $0x1  }
0xb3: {  	[sflag:s29] =	ssyncadd.s32 $0xFFFFFFFF  }
0xb4: {  	_ =	strace $0x90000048  }
0xb5: {  	_ =	sfence  }
0xb6: {  	s30 =	sld [smem:$0x0];
	_ =	sdelay $0x2  }
0xb7: {  	s31 =	sshll.u32 s1, $0xD;
	s1 =	sshrl.u32 s1, $0x2  }
0xb8: {  	s3 =	sand.u32 $0x4000, s31;
	s1 =	sadd.s32 s1, s30  }
0xb9: {  	s0 =	sor.u32 s3, s0;
	s1 =	sshll.u32 s1, $0x11  }
0xba: {  	s0 =	sor.u32 s1, s0  }
0xbb: {  	s0 =	sadd.s32 $0x8F2B, s0  }
0xbc: {  	[sflag:s0] =	ssyncadd.remote.s32 $0x1  }
0xbd: {  	_ =	sfence.sel $0xFFFF  }
0xbe: {  	[dreg:$0x0] =	wrdreg $0xFFFFFFFF;
	(pc) =	sbr.abs _section_cstart, $3  }
0xbf: {  	[dreg:$0x1] =	wrdreg $0xFFFFFFFF  }
0xc0: {  	_ =	task.clear_ibuf [dreg:s6], $0x2FFFF;
	_ =	strace $0x9FFFFFFF  }
0xc1: {  	(tm) =	ssettm $0x7FFFFFFF  }
tec
execute0_lowered:
.L_overlay_start_1:
0x0: {  	(tag) =	ssettag $0x1  }
0x1: {  	s8 =	rddreg [dreg:$0x0]  }
0x2: {  	s0 =	rddreg [dreg:$0x1];
	_ =	strace $0x80000047;
	s1 =	stileid.u32  }
0x3: {  	s3 =	srdreg.scid;
	s4 =	simm.s32 $0x1;
	s7 =	simm.s32 $0x1  }
0x4: {  	s9 =	simm.s32 $0x1;
	s10 =	simm.s32 $0x3;
	s13 =	simm.s32 $0x0  }
0x5: {  	s12 =	simm.s32 $0x0;
	s5 =	sand.u32 $0x1, s3;
	s6 =	sshll.u32 s1, $0x1  }
0x6: {  	s2 =	sadd.s32 $0x3C00, s8;
	s3 =	sadd.s32 $0xDA00, s8;
	s5 =	sor.u32 s6, s5  }
.Ltmp0:
0x7: {  	[sflag:s4] =	ssyncpa.u1 $0x0;
	p0 =	slt.u32 s5, $0x9;
	(pc) =	sbr.rel .LBB2_1-.Ltmp0, $4  }
0x8: {  	s6 =	simm.s32 $0x2;
	s7 =	simm.s32 @!p0 $0x0;
	p0 =	sne.s32 s5, $0x8  }
0x9: {  	[sflag:s6] =	ssyncpa.u1 $0x0;
	s5 =	smul.u32 $0x1F40, s5;
	s9 =	simm.s32 @!p0 $0x0  }
0xa: {  	s8 =	sadd.s32 $0x17800, s8;
	[sflag:s10] =	ssyncpa.u1 $0x0;
	s7 =	sadd.s32 s9, s7  }
0xb: {  	vm0 =	vmmov $0xffff;
	s10 =	simm.s32 $0x0;
	s11 =	smov.u32 s5;
	s9 =	sadd.s32 $0x1, s7  }
.LBB2_4:
0xc: {  	v2 =	vnsel vm1, $0x0, v2  }
0xd: {  	vm1 =	vgt.s32 v0, $0x0;
	v2 =	vmin.u32 v2, $0x4E1FF  }
0xe: {  	v0 =	vnsel vm1, $0x0, v0  }
0xf: {  	v0 =	vmin.u32 v0, $0x4E1FF  }
0x10: {  	[tilespmem:s18], [sflag:$0x1] =	stream.indirect_vreg.gather [hbm4b:s2+s10], $0x1, v1, vm0, $0x4038;
	[tilespmem:$0x7D00] =	vst v63  }
0x11: {  	(ifvalue) =	ssetifvalue $0x7FFFFFFF  }
0x12: {  	[tilespmem:s15], [sflag:$0x1] =	stream.indirect_vreg.gather [hbm4b:s2+s10], $0x1, v2, vm0, $0x4038;
	[tilespmem:$0x7D00] =	vst v63  }
0x13: {  	s29 =	sadd.s32 $0x10, s15;
	(ifvalue) =	ssetifvalue $0x7FFFFFFF  }
0x14: {  	[tilespmem:s29], [sflag:$0x1] =	stream.indirect_vreg.gather [hbm4b:s2+s10], $0x1, v0, vm0, $0x4038;
	[tilespmem:$0x7D00] =	vst v63  }
0x15: {  	_ =	swait.ge [sflag:s4], $0x1F40  }
0x16: {  	s30 =	sshrl.u32 s13, $0x3;
	[sflag:s4] =	ssyncset.done $0x0  }
0x17: {  	s31 =	sand.u32 $0x7, s13;
	s15 =	sadd.s32 s8, s30;
	[sflag:s4] =	ssyncadd.s32 $0xFFFFE0C0  }
0x18: {  	[hbm4b:s15+s31] =	stream.linear.scatter [tilespmem:s14], [sflag:$0x3], $0x1F40, $0x38;
	[tilespmem:$0x7D00] =	vst v63  }
.LBB2_5:
0x19: {  	s15 =	sadd.s32 $0x3E800, s11  }
0x1a: {  	p1 =	sgt.s32 s15, $0x4E1FF  }
0x1b: {  	s15 =	smov.u32 @p1 s5;
	p1 =	sne.s32 s12, s9  }
.Ltmp1:
0x1c: {  	p0 =	slt.u32 s12, $0x2;
	(pc) =	sbr.rel @!p1 .LBB2_6-.Ltmp1, $4  }
0x1d: {  	s14 =	simm.s32 @!p0 $0x3  }
0x1e: {  	_ =	swait.ge @!p0 [sflag:s14], $0x1F40  }
0x1f: {  	s16 =	sadd.s32 $0x1, s12;
	s13 =	smov.u32 s11;
	[sflag:s14] =	ssyncset.done @!p0 $0x0  }
0x20: {  	s12 =	smov.u32 s16;
	s11 =	smov.u32 s15;
	[sflag:s14] =	ssyncadd.s32 @!p0 $0xFFFFE0C0  }
.LBB2_1:
0x21: {  	p0 =	sge.u32 s12, s7  }
0x22: {  	s14 =	sxor.u32 @!p0 $0x1, s12  }
0x23: {  	s14 =	smul.u32 @!p0 $0x7D00, s14  }
0x24: {  	s31 =	sadd.s32 $0xFFFFFFFF, s12;
	s15 =	sshrl.u32 @!p0 s11, $0x3  }
0x25: {  	s16 =	sand.u32 @!p0 $0x7, s11;
	s15 =	sadd.s32 @!p0 s3, s15;
	s14 =	sshra.s32 @!p0 s14, $0x2  }
0x26: {  	[tilespmem:s14], [sflag:$0x2] =	stream.linear.gather @!p0 [hbm4b:s15+s16], $0x1F40, $0x38;
	[tilespmem:$0x7D00] =	vst v63  }
0x27: {  	p0 =	sge.u32 s31, s7  }
.Ltmp2:
0x28: {  	_ = 	snop;
	(pc) =	sbr.rel @p0 .LBB2_5-.Ltmp2, $1  }
0x29: {  	_ =	sdelay $0x3  }
0x2a: {  	s14 =	sand.u32 $0x1, s12  }
0x2b: {  	_ =	swait.ge [sflag:s6], $0x1F40;
	p0 =	seq.s32 s14, $0x1;
	s14 =	simm.s32 $0x1F40  }
0x2c: {  	[sflag:s6] =	ssyncset.done $0x0;
	s14 =	simm.s32 @!p0 $0x0  }
0x2d: {  	[sflag:s6] =	ssyncadd.s32 $0xFFFFE0C0;
	(ifvalue) =	ssetifvalue $0x7FFFFFFF;
	v0 =	vld.msk [tilespmem:s14+$0x0 ss:$0x1], $0xffff;
	_ =	sdelay $0x4  }
0x2e: {  	s15 =	sadd.s32 $0x10, s14;
	vm1 =	vgt.s32 v0, $0x0  }
0x2f: {  	v2 =	vld.msk [tilespmem:s15+$0x0 ss:$0x1], $0xffff;
	v1 =	vnsel vm1, $0x0, v0  }
0x30: {  	v1 =	vmin.u32 v1, $0x4E1FF;
	_ =	sdelay $0x2  }
0x31: {  	s17 =	simm.s32 $0x20;
	s14 =	sadd.s32 $0x3E80, s14;
	s16 =	sadd.s32 $0x10, s15  }
0x32: {  	s15 =	sadd.s32 $0x10, s14;
	s18 =	smov.u32 s14;
	v0 =	vld.msk [tilespmem:s16+$0x0 ss:$0x1], $0xffff;
	vm1 =	vgt.s32 v2, $0x0;
	(ifvalue) =	ssetifvalue $0x7FFFFFFF  }
.LBB2_3:
0x33: {  	[tilespmem:s18], [sflag:$0x1] =	stream.indirect_vreg.gather [hbm4b:s2+s10], $0x1, v1, vm0, $0x4038;
	[tilespmem:$0x7D00] =	vst v63  }
0x34: {  	s17 =	sadd.s32 $0x10, s17  }
0x35: {  	v2 =	vnsel vm1, $0x0, v2;
	p0 =	slt.u32 s17, $0x1F30  }
.Ltmp3:
0x36: {  	s18 =	smov.u32 s15;
	v1 =	vmin.u32 v2, $0x4E1FF;
	(pc) =	sbr.rel @p0 .LBB2_3-.Ltmp3, $3  }
0x37: {  	_ =	sdelay $0x1  }
0x38: {  	s16 =	sadd.s32 $0x10, s16  }
0x39: {  	vm1 =	vgt.s32 v0, $0x0;
	s15 =	sadd.s32 $0x10, s15;
	v2 =	vmov v0;
	(ifvalue) =	ssetifvalue $0x7FFFFFFF;
	v0 =	vld.msk [tilespmem:s16+$0x0 ss:$0x1], $0xffff  }
.Ltmp4:
0x3a: {  	_ = 	snop;
	(pc) =	sbr.rel .LBB2_4-.Ltmp4, $1  }
0x3b: {  	_ =	sdelay $0x3  }
.LBB2_6:
0x3c: {  	_ =	sfence.sel $0x180000  }
0x3d: {  	s2 =	simm.s32 $0x2;
	[bflag:$0x0] =	sbarrier.arrive $0xFFFF  }
0x3e: {  	s30 =	simm.s32 $0x3;
	[sflag:s2] =	ssyncpa.u1 $0x1  }
0x3f: {  	s31 =	simm.s32 $0x1;
	[sflag:s30] =	ssyncpa.u1 $0x1  }
0x40: {  	[sflag:s31] =	ssyncpa.u1 $0x1  }
0x41: {  	p0 =	sne.s32 s1, $0x0;
	_ =	strace $0x90000047  }
0x42: {  	s0 =	sadd.s32 @!p0 $0x100000, s0;
	[bflag:$0x2] =	sbarrier.arrive $0xFFFF  }
0x43: {  	[sflag:s0] =	ssyncadd.tile.s32 @!p0 $0x1;
	_ =	shalt  }
.Lfunc_end2:
_tile_overlayer_lowered:
.L_overlay_start_2:
0x44: {  	(tag) =	ssettag $0x2  }
0x45: {  	s0 =	rddreg [dreg:$0x0];
	s2 =	stileid.u32  }
0x46: {  	s1 =	rddreg [dreg:$0x1];
	p0 =	sne.s32 s2, $0x0  }
0x47: {  	s3 =	rddreg [dreg:$0x2];
	[bflag:$0x3] =	sbarrier.arrive $0xFFFF;
	s2 =	simm.s32 @!p0 $0x1C01  }
0x48: {  	[timem:s3], [sflag:s2] =	dma.local @!p0 [hbm:s0], s1  }
0x49: {  	s0 =	simm.s32 @!p0 $0x1  }
0x4a: {  	_ =	swait.ge @!p0 [sflag:s0], s1  }
0x4b: {  	s1 =	ssub.s32 @!p0 $0x0, s1;
	[sflag:s0] =	ssyncset.done @!p0 $0x0  }
0x4c: {  	[sflag:s0] =	ssyncadd.s32 @!p0 s1  }
0x4d: {  	[bflag:$0x3] =	sbarrier.arrive $0xFFFF  }
0x4e: {  	_ =	shalt  }

// kernel: gather_offload_async_start
scs
__scs_entry_jumppad:
0x0: {  	(pc) =	sbr.rel $0x88, $3  }
0x1: {  	(tag) =	ssettag $0x0;
	lr =	simm.s32 $0x1  }
0x2: {  	[smem:$0x3F88] =	sst lr;
	_ =	strace $0xD0000000  }
0x3: {  	_ = 	snop  }
0x4: {  	_ = 	snop  }
0x5: {  	_ = 	snop  }
0x6: {  	_ = 	snop  }
0x7: {  	_ = 	snop  }
__scs_overlays_trampoline_lowered:
0x8: {  	[smem:$0x3F97] =	sst s0  }
0x9: {  	[smem:$0x3F98] =	sst s1  }
0xa: {  	[smem:$0x3F99] =	sst s2  }
0xb: {  	[smem:$0x3F9A] =	sst s3  }
0xc: {  	[smem:$0x3F9B] =	sst s4  }
0xd: {  	[smem:$0x3F9C] =	sst s5  }
0xe: {  	[smem:$0x3F9D] =	sst s6  }
0xf: {  	[smem:$0x3F9E] =	sst s7  }
0x10: {  	[smem:$0x3F9F] =	sst s8  }
0x11: {  	[smem:$0x3FA0] =	sst s9;
	s0 =	simm.s32 @!p0 $0x0  }
0x12: {  	s1 =	sld [smem:$0x3F86];
	s0 =	simm.s32 @p0 $0x1  }
0x13: {  	[smem:$0x3FA1] =	sst s0;
	s0 =	simm.s32 @!p1 $0x0  }
0x14: {  	s2 =	sld [smem:$0x3F85];
	s0 =	simm.s32 @p1 $0x1  }
0x15: {  	[smem:$0x3FA2] =	sst s0;
	s0 =	simm.s32 @!p2 $0x0  }
0x16: {  	s3 =	sld [smem:$0x3FDB];
	s0 =	simm.s32 @p2 $0x1  }
0x17: {  	s4 =	simm.s32 $0x1BF5;
	[smem:$0x3FA4] =	sst s0  }
0x18: {  	s0 =	sld [smem:$0x3F87];
	_ =	swait.ge [sflag:s4], $0x0  }
0x19: {  	s7 =	sld [smem:$0x3F88]  }
0x1a: {  	s8 =	sadd.s32 $0xFFFFE003, lr  }
0x1b: {  	s9 =	sadd.s32 $0xFFFFFEF7, lr;
	s5 =	simm.s32 $0xFFFFFFFF;
	p2 =	slt.u32 s8, $0xFFFFF086  }
0x1c: {  	p1 =	slt.u32 s9, $0xF7A;
	s5 =	simm.s32 @!p2 $0x0  }
0x1d: {  	s5 =	simm.s32 @p1 $0x1;
	p0 =	seq.s32 s7, s2  }
0x1e: {  	s7 =	smul.u32 @!p0 $0xF7A, s2;
	p2 =	seq.s32 @!p0 s5, $0x0  }
0x1f: {  	s9 =	smul.u32 $0xF7A, s1;
	s8 =	simm.s32 @!p0 $0x1BF5;
	p2 =	por !p2, p0  }
0x20: {  	[sflag:s8] =	ssyncset.s32 @!p0 $0xFFFFF086;
	s6 =	sadd.s32 @!p0 s3, s7;
	s7 =	simm.s32 @!p0 $0x108  }
0x21: {  	s3 =	sadd.s32 s3, s9;
	s6 =	sadd.s32 @!p0 $0x88, s6;
	s7 =	simm.s32 @p2 $0x1082  }
0x22: {  	[simem:s7], [sflag:s8] =	dma.local @!p0 [hbm:s6], $0xF7A  }
0x23: {  	s9 =	sor.u32 $0xD0000000, s2;
	s6 =	simm.s32 $0x108;
	_ =	swait.ge @!p0 [sflag:s8], $0x0  }
0x24: {  	s3 =	sadd.s32 $0x88, s3;
	s6 =	simm.s32 @!p1 $0x1082;
	[sflag:s4] =	ssyncset.s32 $0xFFFFF086  }
0x25: {  	[simem:s6], [sflag:s4] =	dma.local [hbm:s3], $0xF7A  }
0x26: {  	[smem:$0x3F88] =	sst s1;
	(tag) =	ssettag s2;
	_ =	strace s9  }
0x27: {  	s1 =	sld [smem:$0x3F98]  }
0x28: {  	s2 =	sld [smem:$0x3F99]  }
0x29: {  	s4 =	sld [smem:$0x3F9B]  }
0x2a: {  	p0 =	seq.s32 s5, $0x0;
	s5 =	sld [smem:$0x3F9C]  }
0x2b: {  	s6 =	sld [smem:$0x3F9D]  }
0x2c: {  	s7 =	sld [smem:$0x3F9E]  }
0x2d: {  	s3 =	simm.s32 $0x108;
	s8 =	sld [smem:$0x3F9F]  }
0x2e: {  	s3 =	simm.s32 @!p0 $0x1082;
	s9 =	sld [smem:$0x3FA0]  }
0x2f: {  	lr =	sadd.s32 s0, s3;
	s0 =	sld [smem:$0x3F97]  }
0x30: {  	s3 =	sld [smem:$0x3F9A]  }
0x31: {  	[smem:$0x3FA3] =	sst s10  }
0x32: {  	s10 =	sld [smem:$0x3FA1];
	_ =	sdelay $0x3  }
0x33: {  	p0 =	seq.s32 s10, $0x1;
	s10 =	sld [smem:$0x3FA3];
	_ =	sdelay $0x3  }
0x34: {  	[smem:$0x3FA3] =	sst s10  }
0x35: {  	s10 =	sld [smem:$0x3FA2];
	_ =	sdelay $0x3  }
0x36: {  	p1 =	seq.s32 s10, $0x1;
	s10 =	sld [smem:$0x3FA3];
	_ =	sdelay $0x3  }
0x37: {  	[smem:$0x3FA3] =	sst s10  }
0x38: {  	s10 =	sld [smem:$0x3FA4]  }
0x39: {  	_ = 	snop;
	(pc) =	sbr.ind lr, $3  }
0x3a: {  	_ = 	snop  }
0x3b: {  	_ = 	snop  }
0x3c: {  	p2 =	seq.s32 s10, $0x1;
	s10 =	sld [smem:$0x3FA3]  }
0x3d: {  	_ =	shalt  }
0x3e: {  	_ =	shalt  }
0x3f: {  	_ =	shalt  }
0x40: {  	_ =	shalt  }
0x41: {  	_ =	shalt  }
0x42: {  	_ =	shalt  }
0x43: {  	_ =	shalt  }
0x44: {  	_ =	shalt  }
0x45: {  	_ =	shalt  }
0x46: {  	_ =	shalt  }
0x47: {  	_ =	shalt  }
0x48: {  	_ =	shalt  }
0x49: {  	_ =	shalt  }
0x4a: {  	_ =	shalt  }
0x4b: {  	_ =	shalt  }
0x4c: {  	_ =	shalt  }
0x4d: {  	_ =	shalt  }
0x4e: {  	_ =	shalt  }
0x4f: {  	_ =	shalt  }
0x50: {  	_ =	shalt  }
0x51: {  	_ =	shalt  }
0x52: {  	_ =	shalt  }
0x53: {  	_ =	shalt  }
0x54: {  	_ =	shalt  }
0x55: {  	_ =	shalt  }
0x56: {  	_ =	shalt  }
0x57: {  	_ =	shalt  }
0x58: {  	_ =	shalt  }
0x59: {  	_ =	shalt  }
0x5a: {  	_ =	shalt  }
0x5b: {  	_ =	shalt  }
0x5c: {  	_ =	shalt  }
0x5d: {  	_ =	shalt  }
0x5e: {  	_ =	shalt  }
0x5f: {  	_ =	shalt  }
0x60: {  	_ =	shalt  }
0x61: {  	_ =	shalt  }
0x62: {  	_ =	shalt  }
0x63: {  	_ =	shalt  }
0x64: {  	_ =	shalt  }
0x65: {  	_ =	shalt  }
0x66: {  	_ =	shalt  }
0x67: {  	_ =	shalt  }
0x68: {  	_ =	shalt  }
0x69: {  	_ =	shalt  }
0x6a: {  	_ =	shalt  }
0x6b: {  	_ =	shalt  }
0x6c: {  	_ =	shalt  }
0x6d: {  	_ =	shalt  }
0x6e: {  	_ =	shalt  }
0x6f: {  	_ =	shalt  }
0x70: {  	_ =	shalt  }
0x71: {  	_ =	shalt  }
0x72: {  	_ =	shalt  }
0x73: {  	_ =	shalt  }
0x74: {  	_ =	shalt  }
0x75: {  	_ =	shalt  }
0x76: {  	_ =	shalt  }
0x77: {  	_ =	shalt  }
0x78: {  	_ =	shalt  }
0x79: {  	_ =	shalt  }
0x7a: {  	_ =	shalt  }
0x7b: {  	_ =	shalt  }
0x7c: {  	_ =	shalt  }
0x7d: {  	_ =	shalt  }
0x7e: {  	_ =	shalt  }
0x7f: {  	_ =	shalt  }
0x80: {  	_ =	shalt  }
0x81: {  	_ =	shalt  }
0x82: {  	_ =	shalt  }
0x83: {  	_ =	shalt  }
0x84: {  	_ =	shalt  }
0x85: {  	_ =	shalt  }
0x86: {  	_ =	shalt  }
0x87: {  	_ =	shalt  }
.Lfunc_end0:
.L_simem_size_0:
called_computation_lowered:
.L_overlay_start_0:
0x88: {  	s2 =	sld [smem:$0x3FD9]  }
0x89: {  	s3 =	sld [smem:$0x3FFE];
	_ =	sdelay $0x1  }
0x8a: {  	s1 =	srdreg.scid  }
0x8b: {  	s0 =	sand.u32 $0x1, s1  }
0x8c: {  	s17 =	sshll.u32 s0, $0xA;
	s2 =	sadd.s32 s3, s2  }
0x8d: {  	s2 =	sadd.s32 s2, s17  }
0x8e: {  	[smem:$0x3FAF] =	sst s2  }
0x8f: {  	_ = 	snop  }
0x90: {  	s18 =	sld [smem:$0x3FD0];
	(tm) =	ssettm $0x1  }
0x91: {  	s19 =	sld [smem:$0x3FFB];
	_ =	sdelay $0x3  }
0x92: {  	_ =	strace s19  }
0x93: {  	s2 =	sld [smem:$0x3FFC];
	_ =	sdelay $0x3  }
0x94: {  	_ =	strace s2  }
0x95: {  	s2 =	sld [smem:$0x3FFD];
	_ =	sdelay $0x3  }
0x96: {  	_ =	strace s2  }
0x97: {  	_ =	strace $0x8FFFFFFF  }
0x98: {  	s20 =	sld [smem:$0x3FDB];
	_ =	sdelay $0x1  }
0x99: {  	s4 =	simm.s32 $_scs_section_size  }
0x9a: {  	s5 =	simm.s32 $_size__tile_overlayer_lowered;
	s6 =	simm.s32 $_tile_overlayer_lowered  }
0x9b: {  	s7 =	simm.s32 $0x1BFF;
	s21 =	sshll.u32 s6, $0x1;
	s4 =	sadd.s32 s4, s20  }
0x9c: {  	s22 =	simm.s32 $0x0;
	s5 =	sshll.u32 s5, $0x1;
	s6 =	sadd.s32 s21, s4  }
0x9d: {  	[timem:s22], [sflag:s7] =	dma.local [hbm:s6], s5  }
0x9e: {  	_ =	swait.ge [sflag:s7], s5  }
0x9f: {  	s5 =	ssub.s32 $0x0, s5;
	[sflag:s7] =	ssyncset.done $0x0  }
0xa0: {  	[sflag:s7] =	ssyncadd.s32 s5;
	_ =	sdelay $0x1  }
0xa1: {  	s23 =	simm.s32 $0x1B8B  }
0xa2: {  	_ =	swait.ge [sflag:s23], $0x1  }
0xa3: {  	[sflag:s23] =	ssyncset.done $0x0  }
0xa4: {  	[sflag:s23] =	ssyncadd.s32 $0xFFFFFFFF  }
0xa5: {  	s5 =	sld [smem:$0x0]  }
0xa6: {  	s6 =	sand.u32 $0xFFFFFFFE, s1  }
0xa7: {  	p0 =	sne.s32 s1, s6  }
0xa8: {  	s6 =	sshll.u32 @p0 s6, $0xE  }
0xa9: {  	s6 =	sadd.s32 @p0 $0x11B8D, s6;
	s7 =	sshll.u32 @p0 s5, $0x11  }
0xaa: {  	s6 =	sor.u32 @p0 s7, s6  }
0xab: {  	[sflag:s6] =	ssyncadd.remote.s32 @p0 $0x1;
	_ =	sdelay $0x1  }
0xac: {  	s6 =	simm.s32 @p0 $0x1B8D  }
0xad: {  	_ =	swait.eq @p0 [sflag:s6], $0x1  }
0xae: {  	[sflag:s6] =	ssyncadd.s32 @p0 $0xFFFFFFFF  }
0xaf: {  	s7 =	sshll.u32 @!p0 s1, $0xE  }
0xb0: {  	s7 =	sor.u32 @!p0 $0x4000, s7;
	s6 =	simm.s32 @!p0 $0x1B8D  }
0xb1: {  	s5 =	sshll.u32 @!p0 s5, $0x11;
	s7 =	sadd.s32 @!p0 $0x11B8D, s7;
	_ =	swait.eq @!p0 [sflag:s6], $0x1  }
0xb2: {  	s5 =	sor.u32 @!p0 s5, s7;
	[sflag:s6] =	ssyncadd.s32 @!p0 $0xFFFFFFFF  }
0xb3: {  	s25 =	simm.s32 $0x1B8E;
	s24 =	sld [smem:$0x3FFE];
	[sflag:s5] =	ssyncadd.remote.s32 @!p0 $0x1  }
0xb4: {  	s26 =	simm.s32 $execute0_lowered;
	[smem:$0x3FD2] =	sst s25  }
0xb5: {  	s6 =	sshll.u32 s26, $0x1;
	_ =	strace $0x80000049;
	[dreg:$0x1] =	wrdreg $0xFFFFFFFF  }
0xb6: {  	s28 =	simm.s32 $_size_execute0_lowered;
	s4 =	sadd.s32 s4, s6;
	[dreg:$0x0] =	wrdreg $0x0  }
0xb7: {  	s6 =	sshll.u32 s28, $0x1;
	[dreg:$0x2] =	wrdreg s4  }
0xb8: {  	[dreg:$0x3] =	wrdreg s6  }
0xb9: {  	[dreg:$0x4] =	wrdreg $0xC0  }
0xba: {  	_ =	task [dreg:s22], $0x5FFFF  }
0xbb: {  	[dreg:$0x1] =	wrdreg $0xFFFFFFFF  }
0xbc: {  	[dreg:$0x0] =	wrdreg $0x60  }
0xbd: {  	[dreg:$0x2] =	wrdreg s18  }
0xbe: {  	[dreg:$0x3] =	wrdreg s24  }
0xbf: {  	[dreg:$0x4] =	wrdreg $0x9  }
0xc0: {  	_ =	task.clear_ibuf [dreg:s22], $0x5FFFF;
	_ =	strace $0x90000049  }
0xc1: {  	s29 =	simm.s32 $0x9;
	_ =	strace $0x8000004B  }
0xc2: {  	_ =	swait.ge [sflag:s29], $0x1  }
0xc3: {  	[sflag:s29] =	ssyncadd.s32 $0xFFFFFFFF  }
0xc4: {  	_ =	strace $0x9000004B  }
0xc5: {  	_ =	sfence  }
0xc6: {  	s30 =	sld [smem:$0x0];
	_ =	sdelay $0x2  }
0xc7: {  	s31 =	sshll.u32 s1, $0xD;
	s1 =	sshrl.u32 s1, $0x2  }
0xc8: {  	s4 =	sand.u32 $0x4000, s31;
	s1 =	sadd.s32 s1, s30  }
0xc9: {  	s0 =	sor.u32 s4, s0;
	s1 =	sshll.u32 s1, $0x11  }
0xca: {  	s0 =	sor.u32 s1, s0  }
0xcb: {  	s0 =	sadd.s32 $0x8F2B, s0  }
0xcc: {  	[sflag:s0] =	ssyncadd.remote.s32 $0x1  }
0xcd: {  	_ =	sfence.sel $0xFFFF  }
0xce: {  	[dreg:$0x0] =	wrdreg $0xFFFFFFFF;
	(pc) =	sbr.abs _section_cstart, $3  }
0xcf: {  	[dreg:$0x1] =	wrdreg $0xFFFFFFFF  }
0xd0: {  	_ =	task.clear_ibuf [dreg:s22], $0x2FFFF;
	_ =	strace $0x9FFFFFFF  }
0xd1: {  	(tm) =	ssettm $0x7FFFFFFF  }
tec
execute0_lowered:
.L_overlay_start_1:
0x0: {  	(tag) =	ssettag $0x1  }
0x1: {  	s2 =	rddreg [dreg:$0x0]  }
0x2: {  	s8 =	rddreg [dreg:$0x1]  }
0x3: {  	s0 =	rddreg [dreg:$0x2];
	s1 =	stileid.u32  }
0x4: {  	s3 =	srdreg.scid;
	_ =	strace $0x8000004A;
	s4 =	simm.s32 $0x1  }
0x5: {  	s7 =	simm.s32 $0x1;
	s9 =	simm.s32 $0x1;
	s10 =	simm.s32 $0x3  }
0x6: {  	s13 =	simm.s32 $0x0;
	s5 =	sand.u32 $0x1, s3;
	s6 =	sshll.u32 s1, $0x1  }
0x7: {  	s12 =	simm.s32 $0x0;
	s3 =	sadd.s32 $0xDA00, s8;
	s5 =	sor.u32 s6, s5  }
.Ltmp0:
0x8: {  	[sflag:s4] =	ssyncpa.u1 $0x0;
	p0 =	slt.u32 s5, $0x9;
	(pc) =	sbr.rel .LBB2_1-.Ltmp0, $4  }
0x9: {  	s6 =	simm.s32 $0x2;
	s7 =	simm.s32 @!p0 $0x0;
	p0 =	sne.s32 s5, $0x8  }
0xa: {  	[sflag:s6] =	ssyncpa.u1 $0x0;
	s5 =	smul.u32 $0x1F40, s5;
	s9 =	simm.s32 @!p0 $0x0  }
0xb: {  	s8 =	sadd.s32 $0x21600, s8;
	[sflag:s10] =	ssyncpa.u1 $0x0;
	s7 =	sadd.s32 s9, s7  }
0xc: {  	vm0 =	vmmov $0xffff;
	s10 =	simm.s32 $0x0;
	s11 =	smov.u32 s5;
	s9 =	sadd.s32 $0x1, s7  }
.LBB2_4:
0xd: {  	v2 =	vnsel vm1, $0x0, v2  }
0xe: {  	vm1 =	vgt.s32 v0, $0x0;
	v2 =	vmin.u32 v2, $0x4E1FF  }
0xf: {  	v0 =	vnsel vm1, $0x0, v0  }
0x10: {  	v0 =	vmin.u32 v0, $0x4E1FF  }
0x11: {  	[tilespmem:s18], [sflag:$0x1] =	stream.indirect_vreg.gather [hbm4b:s2+s10], $0x1, v1, vm0, $0x4038;
	[tilespmem:$0x7D00] =	vst v63  }
0x12: {  	(ifvalue) =	ssetifvalue $0x7FFFFFFF  }
0x13: {  	[tilespmem:s15], [sflag:$0x1] =	stream.indirect_vreg.gather [hbm4b:s2+s10], $0x1, v2, vm0, $0x4038;
	[tilespmem:$0x7D00] =	vst v63  }
0x14: {  	s29 =	sadd.s32 $0x10, s15;
	(ifvalue) =	ssetifvalue $0x7FFFFFFF  }
0x15: {  	[tilespmem:s29], [sflag:$0x1] =	stream.indirect_vreg.gather [hbm4b:s2+s10], $0x1, v0, vm0, $0x4038;
	[tilespmem:$0x7D00] =	vst v63  }
0x16: {  	_ =	swait.ge [sflag:s4], $0x1F40  }
0x17: {  	s30 =	sshrl.u32 s13, $0x3;
	[sflag:s4] =	ssyncset.done $0x0  }
0x18: {  	s31 =	sand.u32 $0x7, s13;
	s15 =	sadd.s32 s8, s30;
	[sflag:s4] =	ssyncadd.s32 $0xFFFFE0C0  }
0x19: {  	[hbm4b:s15+s31] =	stream.linear.scatter [tilespmem:s14], [sflag:$0x3], $0x1F40, $0x38;
	[tilespmem:$0x7D00] =	vst v63  }
.LBB2_5:
0x1a: {  	s15 =	sadd.s32 $0x3E800, s11  }
0x1b: {  	p1 =	sgt.s32 s15, $0x4E1FF  }
0x1c: {  	s15 =	smov.u32 @p1 s5;
	p1 =	sne.s32 s12, s9  }
.Ltmp1:
0x1d: {  	p0 =	slt.u32 s12, $0x2;
	(pc) =	sbr.rel @!p1 .LBB2_6-.Ltmp1, $4  }
0x1e: {  	s14 =	simm.s32 @!p0 $0x3  }
0x1f: {  	_ =	swait.ge @!p0 [sflag:s14], $0x1F40  }
0x20: {  	s16 =	sadd.s32 $0x1, s12;
	s13 =	smov.u32 s11;
	[sflag:s14] =	ssyncset.done @!p0 $0x0  }
0x21: {  	s12 =	smov.u32 s16;
	s11 =	smov.u32 s15;
	[sflag:s14] =	ssyncadd.s32 @!p0 $0xFFFFE0C0  }
.LBB2_1:
0x22: {  	p0 =	sge.u32 s12, s7  }
0x23: {  	s14 =	sxor.u32 @!p0 $0x1, s12  }
0x24: {  	s14 =	smul.u32 @!p0 $0x7D00, s14  }
0x25: {  	s31 =	sadd.s32 $0xFFFFFFFF, s12;
	s15 =	sshrl.u32 @!p0 s11, $0x3  }
0x26: {  	s16 =	sand.u32 @!p0 $0x7, s11;
	s15 =	sadd.s32 @!p0 s3, s15;
	s14 =	sshra.s32 @!p0 s14, $0x2  }
0x27: {  	[tilespmem:s14], [sflag:$0x2] =	stream.linear.gather @!p0 [hbm4b:s15+s16], $0x1F40, $0x38;
	[tilespmem:$0x7D00] =	vst v63  }
0x28: {  	p0 =	sge.u32 s31, s7  }
.Ltmp2:
0x29: {  	_ = 	snop;
	(pc) =	sbr.rel @p0 .LBB2_5-.Ltmp2, $1  }
0x2a: {  	_ =	sdelay $0x3  }
0x2b: {  	s14 =	sand.u32 $0x1, s12  }
0x2c: {  	_ =	swait.ge [sflag:s6], $0x1F40;
	p0 =	seq.s32 s14, $0x1;
	s14 =	simm.s32 $0x1F40  }
0x2d: {  	[sflag:s6] =	ssyncset.done $0x0;
	s14 =	simm.s32 @!p0 $0x0  }
0x2e: {  	[sflag:s6] =	ssyncadd.s32 $0xFFFFE0C0;
	(ifvalue) =	ssetifvalue $0x7FFFFFFF;
	v0 =	vld.msk [tilespmem:s14+$0x0 ss:$0x1], $0xffff;
	_ =	sdelay $0x4  }
0x2f: {  	s15 =	sadd.s32 $0x10, s14;
	vm1 =	vgt.s32 v0, $0x0  }
0x30: {  	v2 =	vld.msk [tilespmem:s15+$0x0 ss:$0x1], $0xffff;
	v1 =	vnsel vm1, $0x0, v0  }
0x31: {  	v1 =	vmin.u32 v1, $0x4E1FF;
	_ =	sdelay $0x2  }
0x32: {  	s17 =	simm.s32 $0x20;
	s14 =	sadd.s32 $0x3E80, s14;
	s16 =	sadd.s32 $0x10, s15  }
0x33: {  	s15 =	sadd.s32 $0x10, s14;
	s18 =	smov.u32 s14;
	v0 =	vld.msk [tilespmem:s16+$0x0 ss:$0x1], $0xffff;
	vm1 =	vgt.s32 v2, $0x0;
	(ifvalue) =	ssetifvalue $0x7FFFFFFF  }
.LBB2_3:
0x34: {  	[tilespmem:s18], [sflag:$0x1] =	stream.indirect_vreg.gather [hbm4b:s2+s10], $0x1, v1, vm0, $0x4038;
	[tilespmem:$0x7D00] =	vst v63  }
0x35: {  	s17 =	sadd.s32 $0x10, s17  }
0x36: {  	v2 =	vnsel vm1, $0x0, v2;
	p0 =	slt.u32 s17, $0x1F30  }
.Ltmp3:
0x37: {  	s18 =	smov.u32 s15;
	v1 =	vmin.u32 v2, $0x4E1FF;
	(pc) =	sbr.rel @p0 .LBB2_3-.Ltmp3, $3  }
0x38: {  	_ =	sdelay $0x1  }
0x39: {  	s16 =	sadd.s32 $0x10, s16  }
0x3a: {  	vm1 =	vgt.s32 v0, $0x0;
	s15 =	sadd.s32 $0x10, s15;
	v2 =	vmov v0;
	(ifvalue) =	ssetifvalue $0x7FFFFFFF;
	v0 =	vld.msk [tilespmem:s16+$0x0 ss:$0x1], $0xffff  }
.Ltmp4:
0x3b: {  	_ = 	snop;
	(pc) =	sbr.rel .LBB2_4-.Ltmp4, $1  }
0x3c: {  	_ =	sdelay $0x3  }
.LBB2_6:
0x3d: {  	_ =	sfence.sel $0x180000  }
0x3e: {  	s2 =	simm.s32 $0x2;
	[bflag:$0x0] =	sbarrier.arrive $0xFFFF  }
0x3f: {  	s30 =	simm.s32 $0x3;
	[sflag:s2] =	ssyncpa.u1 $0x1  }
0x40: {  	s31 =	simm.s32 $0x1;
	[sflag:s30] =	ssyncpa.u1 $0x1  }
0x41: {  	[sflag:s31] =	ssyncpa.u1 $0x1  }
0x42: {  	p0 =	sne.s32 s1, $0x0;
	_ =	strace $0x9000004A  }
0x43: {  	s0 =	sadd.s32 @!p0 $0x100000, s0;
	[bflag:$0x2] =	sbarrier.arrive $0xFFFF  }
0x44: {  	[sflag:s0] =	ssyncadd.tile.s32 @!p0 $0x1;
	_ =	shalt  }
.Lfunc_end2:
_tile_overlayer_lowered:
.L_overlay_start_2:
0x45: {  	(tag) =	ssettag $0x2  }
0x46: {  	s0 =	rddreg [dreg:$0x0];
	s2 =	stileid.u32  }
0x47: {  	s1 =	rddreg [dreg:$0x1];
	p0 =	sne.s32 s2, $0x0  }
0x48: {  	s3 =	rddreg [dreg:$0x2];
	[bflag:$0x3] =	sbarrier.arrive $0xFFFF;
	s2 =	simm.s32 @!p0 $0x1C01  }
0x49: {  	[timem:s3], [sflag:s2] =	dma.local @!p0 [hbm:s0], s1  }
0x4a: {  	s0 =	simm.s32 @!p0 $0x1  }
0x4b: {  	_ =	swait.ge @!p0 [sflag:s0], s1  }
0x4c: {  	s1 =	ssub.s32 @!p0 $0x0, s1;
	[sflag:s0] =	ssyncset.done @!p0 $0x0  }
0x4d: {  	[sflag:s0] =	ssyncadd.s32 @!p0 s1  }
0x4e: {  	[bflag:$0x3] =	sbarrier.arrive $0xFFFF  }
0x4f: {  	_ =	shalt  }

// kernel: kernel.11.cloned.1.call-start
scs
__scs_entry_jumppad:
0x0: {  	(pc) =	sbr.rel $0x88, $3  }
0x1: {  	(tag) =	ssettag $0x0;
	lr =	simm.s32 $0x1  }
0x2: {  	[smem:$0x3F88] =	sst lr;
	_ =	strace $0xD0000000  }
0x3: {  	_ = 	snop  }
0x4: {  	_ = 	snop  }
0x5: {  	_ = 	snop  }
0x6: {  	_ = 	snop  }
0x7: {  	_ = 	snop  }
__scs_overlays_trampoline_lowered:
0x8: {  	[smem:$0x3F97] =	sst s0  }
0x9: {  	[smem:$0x3F98] =	sst s1  }
0xa: {  	[smem:$0x3F99] =	sst s2  }
0xb: {  	[smem:$0x3F9A] =	sst s3  }
0xc: {  	[smem:$0x3F9B] =	sst s4  }
0xd: {  	[smem:$0x3F9C] =	sst s5  }
0xe: {  	[smem:$0x3F9D] =	sst s6  }
0xf: {  	[smem:$0x3F9E] =	sst s7  }
0x10: {  	[smem:$0x3F9F] =	sst s8  }
0x11: {  	[smem:$0x3FA0] =	sst s9;
	s0 =	simm.s32 @!p0 $0x0  }
0x12: {  	s1 =	sld [smem:$0x3F86];
	s0 =	simm.s32 @p0 $0x1  }
0x13: {  	[smem:$0x3FA1] =	sst s0;
	s0 =	simm.s32 @!p1 $0x0  }
0x14: {  	s2 =	sld [smem:$0x3F85];
	s0 =	simm.s32 @p1 $0x1  }
0x15: {  	[smem:$0x3FA2] =	sst s0;
	s0 =	simm.s32 @!p2 $0x0  }
0x16: {  	s3 =	sld [smem:$0x3FDB];
	s0 =	simm.s32 @p2 $0x1  }
0x17: {  	s4 =	simm.s32 $0x1BF5;
	[smem:$0x3FA4] =	sst s0  }
0x18: {  	s0 =	sld [smem:$0x3F87];
	_ =	swait.ge [sflag:s4], $0x0  }
0x19: {  	s7 =	sld [smem:$0x3F88]  }
0x1a: {  	s8 =	sadd.s32 $0xFFFFE003, lr  }
0x1b: {  	s9 =	sadd.s32 $0xFFFFFEF7, lr;
	s5 =	simm.s32 $0xFFFFFFFF;
	p2 =	slt.u32 s8, $0xFFFFF086  }
0x1c: {  	p1 =	slt.u32 s9, $0xF7A;
	s5 =	simm.s32 @!p2 $0x0  }
0x1d: {  	s5 =	simm.s32 @p1 $0x1;
	p0 =	seq.s32 s7, s2  }
0x1e: {  	s7 =	smul.u32 @!p0 $0xF7A, s2;
	p2 =	seq.s32 @!p0 s5, $0x0  }
0x1f: {  	s9 =	smul.u32 $0xF7A, s1;
	s8 =	simm.s32 @!p0 $0x1BF5;
	p2 =	por !p2, p0  }
0x20: {  	[sflag:s8] =	ssyncset.s32 @!p0 $0xFFFFF086;
	s6 =	sadd.s32 @!p0 s3, s7;
	s7 =	simm.s32 @!p0 $0x108  }
0x21: {  	s3 =	sadd.s32 s3, s9;
	s6 =	sadd.s32 @!p0 $0x88, s6;
	s7 =	simm.s32 @p2 $0x1082  }
0x22: {  	[simem:s7], [sflag:s8] =	dma.local @!p0 [hbm:s6], $0xF7A  }
0x23: {  	s9 =	sor.u32 $0xD0000000, s2;
	s6 =	simm.s32 $0x108;
	_ =	swait.ge @!p0 [sflag:s8], $0x0  }
0x24: {  	s3 =	sadd.s32 $0x88, s3;
	s6 =	simm.s32 @!p1 $0x1082;
	[sflag:s4] =	ssyncset.s32 $0xFFFFF086  }
0x25: {  	[simem:s6], [sflag:s4] =	dma.local [hbm:s3], $0xF7A  }
0x26: {  	[smem:$0x3F88] =	sst s1;
	(tag) =	ssettag s2;
	_ =	strace s9  }
0x27: {  	s1 =	sld [smem:$0x3F98]  }
0x28: {  	s2 =	sld [smem:$0x3F99]  }
0x29: {  	s4 =	sld [smem:$0x3F9B]  }
0x2a: {  	p0 =	seq.s32 s5, $0x0;
	s5 =	sld [smem:$0x3F9C]  }
0x2b: {  	s6 =	sld [smem:$0x3F9D]  }
0x2c: {  	s7 =	sld [smem:$0x3F9E]  }
0x2d: {  	s3 =	simm.s32 $0x108;
	s8 =	sld [smem:$0x3F9F]  }
0x2e: {  	s3 =	simm.s32 @!p0 $0x1082;
	s9 =	sld [smem:$0x3FA0]  }
0x2f: {  	lr =	sadd.s32 s0, s3;
	s0 =	sld [smem:$0x3F97]  }
0x30: {  	s3 =	sld [smem:$0x3F9A]  }
0x31: {  	[smem:$0x3FA3] =	sst s10  }
0x32: {  	s10 =	sld [smem:$0x3FA1];
	_ =	sdelay $0x3  }
0x33: {  	p0 =	seq.s32 s10, $0x1;
	s10 =	sld [smem:$0x3FA3];
	_ =	sdelay $0x3  }
0x34: {  	[smem:$0x3FA3] =	sst s10  }
0x35: {  	s10 =	sld [smem:$0x3FA2];
	_ =	sdelay $0x3  }
0x36: {  	p1 =	seq.s32 s10, $0x1;
	s10 =	sld [smem:$0x3FA3];
	_ =	sdelay $0x3  }
0x37: {  	[smem:$0x3FA3] =	sst s10  }
0x38: {  	s10 =	sld [smem:$0x3FA4]  }
0x39: {  	_ = 	snop;
	(pc) =	sbr.ind lr, $3  }
0x3a: {  	_ = 	snop  }
0x3b: {  	_ = 	snop  }
0x3c: {  	p2 =	seq.s32 s10, $0x1;
	s10 =	sld [smem:$0x3FA3]  }
0x3d: {  	_ =	shalt  }
0x3e: {  	_ =	shalt  }
0x3f: {  	_ =	shalt  }
0x40: {  	_ =	shalt  }
0x41: {  	_ =	shalt  }
0x42: {  	_ =	shalt  }
0x43: {  	_ =	shalt  }
0x44: {  	_ =	shalt  }
0x45: {  	_ =	shalt  }
0x46: {  	_ =	shalt  }
0x47: {  	_ =	shalt  }
0x48: {  	_ =	shalt  }
0x49: {  	_ =	shalt  }
0x4a: {  	_ =	shalt  }
0x4b: {  	_ =	shalt  }
0x4c: {  	_ =	shalt  }
0x4d: {  	_ =	shalt  }
0x4e: {  	_ =	shalt  }
0x4f: {  	_ =	shalt  }
0x50: {  	_ =	shalt  }
0x51: {  	_ =	shalt  }
0x52: {  	_ =	shalt  }
0x53: {  	_ =	shalt  }
0x54: {  	_ =	shalt  }
0x55: {  	_ =	shalt  }
0x56: {  	_ =	shalt  }
0x57: {  	_ =	shalt  }
0x58: {  	_ =	shalt  }
0x59: {  	_ =	shalt  }
0x5a: {  	_ =	shalt  }
0x5b: {  	_ =	shalt  }
0x5c: {  	_ =	shalt  }
0x5d: {  	_ =	shalt  }
0x5e: {  	_ =	shalt  }
0x5f: {  	_ =	shalt  }
0x60: {  	_ =	shalt  }
0x61: {  	_ =	shalt  }
0x62: {  	_ =	shalt  }
0x63: {  	_ =	shalt  }
0x64: {  	_ =	shalt  }
0x65: {  	_ =	shalt  }
0x66: {  	_ =	shalt  }
0x67: {  	_ =	shalt  }
0x68: {  	_ =	shalt  }
0x69: {  	_ =	shalt  }
0x6a: {  	_ =	shalt  }
0x6b: {  	_ =	shalt  }
0x6c: {  	_ =	shalt  }
0x6d: {  	_ =	shalt  }
0x6e: {  	_ =	shalt  }
0x6f: {  	_ =	shalt  }
0x70: {  	_ =	shalt  }
0x71: {  	_ =	shalt  }
0x72: {  	_ =	shalt  }
0x73: {  	_ =	shalt  }
0x74: {  	_ =	shalt  }
0x75: {  	_ =	shalt  }
0x76: {  	_ =	shalt  }
0x77: {  	_ =	shalt  }
0x78: {  	_ =	shalt  }
0x79: {  	_ =	shalt  }
0x7a: {  	_ =	shalt  }
0x7b: {  	_ =	shalt  }
0x7c: {  	_ =	shalt  }
0x7d: {  	_ =	shalt  }
0x7e: {  	_ =	shalt  }
0x7f: {  	_ =	shalt  }
0x80: {  	_ =	shalt  }
0x81: {  	_ =	shalt  }
0x82: {  	_ =	shalt  }
0x83: {  	_ =	shalt  }
0x84: {  	_ =	shalt  }
0x85: {  	_ =	shalt  }
0x86: {  	_ =	shalt  }
0x87: {  	_ =	shalt  }
.Lfunc_end0:
.L_simem_size_0:
called_computation.3_lowered:
.L_overlay_start_0:
0x88: {  	s2 =	sld [smem:$0x3FD9]  }
0x89: {  	s3 =	sld [smem:$0x3FFE];
	_ =	sdelay $0x1  }
0x8a: {  	s1 =	srdreg.scid  }
0x8b: {  	s0 =	sand.u32 $0x1, s1  }
0x8c: {  	s17 =	sshll.u32 s0, $0xA;
	s2 =	sadd.s32 s3, s2  }
0x8d: {  	s2 =	sadd.s32 s2, s17  }
0x8e: {  	[smem:$0x3FAF] =	sst s2  }
0x8f: {  	_ = 	snop  }
0x90: {  	s2 =	sld [smem:$0x3FD0];
	(tm) =	ssettm $0x1  }
0x91: {  	s18 =	sld [smem:$0x3FFB];
	_ =	sdelay $0x3  }
0x92: {  	_ =	strace s18  }
0x93: {  	s3 =	sld [smem:$0x3FFC];
	_ =	sdelay $0x3  }
0x94: {  	_ =	strace s3  }
0x95: {  	s3 =	sld [smem:$0x3FFD];
	_ =	sdelay $0x3  }
0x96: {  	_ =	strace s3  }
0x97: {  	_ =	strace $0x8FFFFFFF  }
0x98: {  	s19 =	sld [smem:$0x3FDB];
	_ =	sdelay $0x1  }
0x99: {  	s4 =	simm.s32 $_scs_section_size  }
0x9a: {  	s5 =	simm.s32 $_size__tile_overlayer_lowered;
	s6 =	simm.s32 $_tile_overlayer_lowered  }
0x9b: {  	s22 =	simm.s32 $0x1BFF;
	s21 =	sshll.u32 s6, $0x1;
	s3 =	sadd.s32 s4, s19  }
0x9c: {  	s7 =	simm.s32 $0x0;
	s20 =	sshll.u32 s5, $0x1;
	s5 =	sadd.s32 s21, s3  }
0x9d: {  	[timem:s7], [sflag:s22] =	dma.local [hbm:s5], s20  }
0x9e: {  	_ =	swait.ge [sflag:s22], s20  }
0x9f: {  	s4 =	ssub.s32 $0x0, s20;
	[sflag:s22] =	ssyncset.done $0x0  }
0xa0: {  	[sflag:s22] =	ssyncadd.s32 s4;
	_ =	sdelay $0x1  }
0xa1: {  	s23 =	simm.s32 $0x1B8B  }
0xa2: {  	_ =	swait.ge [sflag:s23], $0x1  }
0xa3: {  	[sflag:s23] =	ssyncset.done $0x0  }
0xa4: {  	s25 =	simm.s32 $0x1B8E;
	s24 =	sld [smem:$0x3FFE];
	[sflag:s23] =	ssyncadd.s32 $0xFFFFFFFF  }
0xa5: {  	s26 =	simm.s32 $execute0_lowered;
	[smem:$0x3FD2] =	sst s25  }
0xa6: {  	s5 =	sshll.u32 s26, $0x1;
	_ =	strace $0x8000004F;
	[dreg:$0x1] =	wrdreg $0xFFFFFFFF  }
0xa7: {  	s28 =	simm.s32 $_size_execute0_lowered;
	s3 =	sadd.s32 s3, s5;
	[dreg:$0x0] =	wrdreg $0x0  }
0xa8: {  	s5 =	sshll.u32 s28, $0x1;
	[dreg:$0x2] =	wrdreg s3  }
0xa9: {  	[dreg:$0x3] =	wrdreg s5  }
0xaa: {  	[dreg:$0x4] =	wrdreg $0xC0  }
0xab: {  	_ =	task [dreg:s7], $0x5FFFF  }
0xac: {  	[dreg:$0x1] =	wrdreg $0xFFFFFFFF  }
0xad: {  	[dreg:$0x0] =	wrdreg $0x60  }
0xae: {  	[dreg:$0x2] =	wrdreg s2  }
0xaf: {  	[dreg:$0x3] =	wrdreg s24  }
0xb0: {  	[dreg:$0x4] =	wrdreg $0x0  }
0xb1: {  	[dreg:$0x5] =	wrdreg $0x9  }
0xb2: {  	_ =	task.clear_ibuf [dreg:s7], $0x6FFFF;
	_ =	strace $0x9000004F  }
0xb3: {  	s29 =	simm.s32 $0x9;
	_ =	strace $0x80000051  }
0xb4: {  	_ =	swait.ge [sflag:s29], $0x1  }
0xb5: {  	[sflag:s29] =	ssyncadd.s32 $0xFFFFFFFF  }
0xb6: {  	_ =	strace $0x90000051  }
0xb7: {  	_ =	sfence  }
0xb8: {  	s30 =	sld [smem:$0x0];
	_ =	sdelay $0x2  }
0xb9: {  	s31 =	sshll.u32 s1, $0xD;
	s1 =	sshrl.u32 s1, $0x2  }
0xba: {  	s3 =	sand.u32 $0x4000, s31;
	s1 =	sadd.s32 s1, s30  }
0xbb: {  	s0 =	sor.u32 s3, s0;
	s1 =	sshll.u32 s1, $0x11  }
0xbc: {  	s0 =	sor.u32 s1, s0  }
0xbd: {  	s0 =	sadd.s32 $0x8F2B, s0  }
0xbe: {  	[sflag:s0] =	ssyncadd.remote.s32 $0x1  }
0xbf: {  	_ =	sfence.sel $0xFFFF  }
0xc0: {  	[dreg:$0x0] =	wrdreg $0xFFFFFFFF;
	(pc) =	sbr.abs _section_cstart, $3  }
0xc1: {  	[dreg:$0x1] =	wrdreg $0xFFFFFFFF  }
0xc2: {  	_ =	task.clear_ibuf [dreg:s7], $0x2FFFF;
	_ =	strace $0x9FFFFFFF  }
0xc3: {  	(tm) =	ssettm $0x7FFFFFFF  }
tec
execute0_lowered:
.L_overlay_start_1:
0x0: {  	(tag) =	ssettag $0x1  }
0x1: {  	s0 =	rddreg [dreg:$0x0]  }
0x2: {  	s5 =	rddreg [dreg:$0x1];
	s1 =	srdreg.scid  }
0x3: {  	s2 =	rddreg [dreg:$0x2];
	s3 =	stileid.u32  }
0x4: {  	s4 =	simm.s32 $0x0;
	s13 =	simm.s32 $0x13880;
	s14 =	simm.s32 $0x2  }
0x5: {  	s15 =	simm.s32 $0x1D480;
	s16 =	simm.s32 $0x1D500;
	s17 =	simm.s32 $0x50  }
0x6: {  	s18 =	simm.s32 $0x1D580;
	s19 =	simm.s32 $0x1;
	s8 =	smul.u32 $0x2710, s3  }
0x7: {  	s6 =	sand.u32 $0x1, s1;
	s1 =	rddreg [dreg:$0x3];
	s9 =	smul.u32 $0x13800, s3  }
0x8: {  	s20 =	simm.s32 $0x0;
	[smem:$0x7FF] =	sst s4;
	s7 =	smul.u32 $0x27100, s6  }
0x9: {  	s28 =	sadd.s32 $0x2B400, s5;
	s26 =	smul.u32 $0x138800, s6;
	s6 =	ssub.s32 $0x2, s6  }
0xa: {  	s31 =	smul.u32 $0x4E000, s3;
	p0 =	sne.s32 s3, $0x0;
	s29 =	sshrl.u32 s6, $0x1  }
0xb: {  	_ =	strace $0x80000050;
	s7 =	sadd.s32 s8, s7;
	s10 =	ssub.s32 s6, s29  }
0xc: {  	s30 =	sadd.s32 s9, s26;
	s8 =	sshrl.u32 s26, $0x3;
	s9 =	sshrl.u32 s31, $0x2  }
0xd: {  	s7 =	sshrl.u32 s7, $0x3;
	s6 =	sshrl.u32 s30, $0x3;
	s8 =	sadd.s32 s28, s8  }
0xe: {  	s12 =	sadd.s32 s7, s5;
	s5 =	sadd.s32 $0x138000, s2;
	s6 =	sadd.s32 s28, s6  }
0xf: {  	s7 =	sadd.s32 s9, s2;
	s8 =	sadd.s32 $0x27000, s8;
	s9 =	smax.u32 s10, $0x1  }
0x10: {  	v0 =	vimm.f32 $0.0e+00;
	s10 =	sadd.s32 $0x9C00, s7;
	s11 =	sadd.s32 $0x17800, s12;
	s12 =	sadd.s32 $0x21600, s12  }
.LBB2_1:
0x11: {  	s21 =	simm.s32 $0x70;
	s22 =	simm.s32 $0x3C0  }
.LBB2_2:
0x12: {  	p1 =	sne.s32 s22, $0x26FC0;
	[tilespmem:s21+$0x13880] =	vst v0  }
0x13: {  	[tilespmem:s21+$0x13810] =	vst v0  }
0x14: {  	[tilespmem:s21+$0x13820] =	vst v0  }
.Ltmp0:
0x15: {  	[tilespmem:s21+$0x13830] =	vst v0;
	(pc) =	sbr.rel @p1 .LBB2_2-.Ltmp0, $4  }
0x16: {  	[tilespmem:s21+$0x13840] =	vst v0  }
0x17: {  	[tilespmem:s21+$0x13850] =	vst v0  }
0x18: {  	[tilespmem:s21+$0x13860] =	vst v0  }
0x19: {  	[tilespmem:s21+$0x13870] =	vst v0;
	s21 =	sshra.s32 s22, $0x2;
	s22 =	sadd.s32 $0x200, s22  }
0x1a: {  	[tilespmem:s21+$0x13880] =	vst v0  }
0x1b: {  	[tilespmem:s21+$0x13810] =	vst v0  }
0x1c: {  	[tilespmem:s21+$0x13820] =	vst v0  }
0x1d: {  	[tilespmem:s21+$0x13830] =	vst v0  }
0x1e: {  	[tilespmem:s21+$0x13840] =	vst v0  }
0x1f: {  	[tilespmem:s21+$0x13850] =	vst v0  }
0x20: {  	[tilespmem:s21+$0x13860] =	vst v0  }
0x21: {  	[tilespmem:s21+$0x13870] =	vst v0  }
0x22: {  	[spmem:s7] =	stream.linear.scatter [tilespmem:s13], [sflag:$0x2], $0x9C00, $0x38;
	[tilespmem:$0x1FD80] =	vst v63  }
0x23: {  	_ =	swait.ge [sflag:s14], $0x9C00  }
0x24: {  	[sflag:s14] =	ssyncset.done $0x0  }
0x25: {  	[sflag:s14] =	ssyncadd.s32 $0xFFFF6400  }
0x26: {  	[spmem:s10] =	stream.linear.scatter [tilespmem:s13], [sflag:$0x2], $0x9C00, $0x38;
	[tilespmem:$0x1FD80] =	vst v63  }
0x27: {  	_ =	swait.ge [sflag:s14], $0x9C00  }
0x28: {  	[sflag:s14] =	ssyncset.done $0x0  }
0x29: {  	s21 =	simm.s32 @!p0 $0x13880;
	[sflag:s14] =	ssyncadd.s32 $0xFFFF6400  }
0x2a: {  	[spmem:s5] =	stream.linear.scatter @!p0 [tilespmem:s21], [sflag:$0x2], $0x800, $0x38;
	[tilespmem:$0x1FD80] =	vst v63  }
0x2b: {  	s21 =	simm.s32 @!p0 $0x2  }
0x2c: {  	_ =	swait.ge @!p0 [sflag:s21], $0x800  }
0x2d: {  	[sflag:s21] =	ssyncset.done @!p0 $0x0  }
0x2e: {  	[sflag:s21] =	ssyncadd.s32 @!p0 $0xFFFFF800  }
0x2f: {  	s30 =	sadd.s32 $0x0, s12;
	[bflag:$0x0] =	sbarrier.arrive $0xFFFF  }
0x30: {  	[tilespmem:s15], [sflag:$0x2] =	stream.linear.gather [hbm4b:s30+s4], $0x50, $0x38;
	[tilespmem:$0x1FD80] =	vst v63  }
0x31: {  	_ =	swait.ge [sflag:s14], $0x50  }
0x32: {  	[sflag:s14] =	ssyncset.done $0x0  }
0x33: {  	s31 =	sadd.s32 $0x0, s11;
	[sflag:s14] =	ssyncadd.s32 $0xFFFFFFB0  }
0x34: {  	[tilespmem:s16], [sflag:$0x2] =	stream.linear.gather [hbm4b:s31+s4], $0x50, $0x38;
	[tilespmem:$0x1FD80] =	vst v63  }
0x35: {  	_ =	swait.ge [sflag:s14], $0x50  }
0x36: {  	[sflag:s14] =	ssyncset.done $0x0  }
0x37: {  	[sflag:s14] =	ssyncadd.s32 $0xFFFFFFB0  }
0x38: {  	[tilespmem:s18], [sflag:$0x1] =	stream.indirect.gather [hbm4b:s0+s17], $0x80, s15, s17, $0xb8;
	[tilespmem:$0x1FD80] =	vst v63  }
0x39: {  	_ =	swait.ge [sflag:s19], $0x2800  }
0x3a: {  	[sflag:s19] =	ssyncset.done $0x0  }
0x3b: {  	[sflag:s19] =	ssyncadd.s32 $0xFFFFD800  }
0x3c: {  	[spmem:s2] =	stream.indirect.scatter.add.f32 [tilespmem:s18], [sflag:$0x2], $0x80, s16, s17, $0xb8;
	[tilespmem:$0x1FD80] =	vst v63  }
0x3d: {  	_ =	swait.ge [sflag:s14], $0x2800  }
0x3e: {  	s22 =	simm.s32 $0x14;
	s21 =	simm.s32 $0xA;
	[sflag:s14] =	ssyncset.done $0x0  }
.LBB2_4:
0x3f: {  	s23 =	sadd.s32 s21, s12  }
0x40: {  	[sflag:s14] =	ssyncadd.s32 $0xFFFFD800;
	s24 =	smov.u32 s22;
	s25 =	sadd.s32 $0xA, s22  }
0x41: {  	[tilespmem:s15], [sflag:$0x2] =	stream.linear.gather [hbm4b:s23+s4], $0x50, $0x38;
	[tilespmem:$0x1FD80] =	vst v63  }
0x42: {  	p1 =	sne.s32 s22, $0x4D8;
	_ =	swait.ge [sflag:s14], $0x50  }
0x43: {  	[sflag:s14] =	ssyncset.done $0x0  }
0x44: {  	s22 =	sadd.s32 s21, s11;
	s21 =	smov.u32 s24;
	[sflag:s14] =	ssyncadd.s32 $0xFFFFFFB0  }
0x45: {  	[tilespmem:s16], [sflag:$0x2] =	stream.linear.gather [hbm4b:s22+s4], $0x50, $0x38;
	[tilespmem:$0x1FD80] =	vst v63  }
0x46: {  	_ =	swait.ge [sflag:s14], $0x50  }
0x47: {  	[sflag:s14] =	ssyncset.done $0x0  }
0x48: {  	[sflag:s14] =	ssyncadd.s32 $0xFFFFFFB0  }
0x49: {  	[tilespmem:s18], [sflag:$0x1] =	stream.indirect.gather [hbm4b:s0+s17], $0x80, s15, s17, $0xb8;
	[tilespmem:$0x1FD80] =	vst v63  }
0x4a: {  	_ =	swait.ge [sflag:s19], $0x2800  }
.Ltmp1:
0x4b: {  	[sflag:s19] =	ssyncset.done $0x0;
	(pc) =	sbr.rel @p1 .LBB2_4-.Ltmp1, $4  }
0x4c: {  	[sflag:s19] =	ssyncadd.s32 $0xFFFFD800  }
0x4d: {  	[spmem:s2] =	stream.indirect.scatter.add.f32 [tilespmem:s18], [sflag:$0x2], $0x80, s16, s17, $0xb8;
	[tilespmem:$0x1FD80] =	vst v63  }
0x4e: {  	_ =	swait.ge [sflag:s14], $0x2800  }
0x4f: {  	s22 =	smov.u32 s25;
	[sflag:s14] =	ssyncset.done $0x0  }
0x50: {  	s22 =	sadd.s32 s21, s12;
	[sflag:s14] =	ssyncadd.s32 $0xFFFFD800  }
0x51: {  	[tilespmem:s15], [sflag:$0x2] =	stream.linear.gather [hbm4b:s22+s4], $0x50, $0x38;
	[tilespmem:$0x1FD80] =	vst v63  }
0x52: {  	_ =	swait.ge [sflag:s14], $0x50  }
0x53: {  	[sflag:s14] =	ssyncset.done $0x0  }
0x54: {  	s29 =	sadd.s32 s21, s11;
	[sflag:s14] =	ssyncadd.s32 $0xFFFFFFB0  }
0x55: {  	[tilespmem:s16], [sflag:$0x2] =	stream.linear.gather [hbm4b:s29+s4], $0x50, $0x38;
	[tilespmem:$0x1FD80] =	vst v63  }
0x56: {  	_ =	swait.ge [sflag:s14], $0x50  }
0x57: {  	[sflag:s14] =	ssyncset.done $0x0  }
0x58: {  	[sflag:s14] =	ssyncadd.s32 $0xFFFFFFB0  }
0x59: {  	[tilespmem:s18], [sflag:$0x1] =	stream.indirect.gather [hbm4b:s0+s17], $0x80, s15, s17, $0xb8;
	[tilespmem:$0x1FD80] =	vst v63  }
0x5a: {  	_ =	swait.ge [sflag:s19], $0x2800  }
0x5b: {  	[sflag:s19] =	ssyncset.done $0x0  }
0x5c: {  	[sflag:s19] =	ssyncadd.s32 $0xFFFFD800  }
0x5d: {  	[spmem:s2] =	stream.indirect.scatter.add.f32 [tilespmem:s18], [sflag:$0x2], $0x80, s16, s17, $0xb8;
	[tilespmem:$0x1FD80] =	vst v63  }
0x5e: {  	_ =	swait.ge [sflag:s14], $0x2800  }
0x5f: {  	[sflag:s14] =	ssyncset.done $0x0  }
0x60: {  	s30 =	sshll.u32 s3, $0x6;
	[sflag:s14] =	ssyncadd.s32 $0xFFFFD800  }
0x61: {  	s31 =	sshrl.u32 s7, $0x3;
	s21 =	sor.u32 $0x1C02, s30;
	[bflag:$0x0] =	sbarrier.arrive $0xFFFF  }
0x62: {  	[hbm:s6], [sflag:s21] =	dma.local [spmem:s31], $0x2700  }
0x63: {  	_ =	swait.ge [sflag:s14], $0x2700  }
0x64: {  	s20 =	sadd.s32 $0x1, s20;
	[sflag:s14] =	ssyncset.done $0x0  }
0x65: {  	s22 =	sshrl.u32 @!p0 s5, $0x3;
	p1 =	sne.s32 s20, s9;
	[sflag:s14] =	ssyncadd.s32 $0xFFFFD900  }
0x66: {  	[hbm:s8], [sflag:s21] =	dma.local @!p0 [spmem:s22], $0x100  }
.Ltmp2:
0x67: {  	_ = 	snop;
	(pc) =	sbr.rel @p1 .LBB2_1-.Ltmp2, $4  }
0x68: {  	s21 =	simm.s32 @!p0 $0x2  }
0x69: {  	_ =	swait.ge @!p0 [sflag:s21], $0x100  }
0x6a: {  	[sflag:s21] =	ssyncset.done @!p0 $0x0  }
0x6b: {  	[sflag:s21] =	ssyncadd.s32 @!p0 $0xFFFFFF00  }
0x6c: {  	_ =	sfence.sel $0x180000  }
0x6d: {  	[bflag:$0x0] =	sbarrier.arrive $0xFFFF  }
0x6e: {  	_ =	strace $0x90000050  }
0x6f: {  	s0 =	sadd.s32 @!p0 $0x100000, s1;
	[bflag:$0x2] =	sbarrier.arrive $0xFFFF  }
0x70: {  	[sflag:s0] =	ssyncadd.tile.s32 @!p0 $0x1;
	_ =	shalt  }
.Lfunc_end2:
_tile_overlayer_lowered:
.L_overlay_start_2:
0x71: {  	(tag) =	ssettag $0x2  }
0x72: {  	s0 =	rddreg [dreg:$0x0];
	s2 =	stileid.u32  }
0x73: {  	s1 =	rddreg [dreg:$0x1];
	p0 =	sne.s32 s2, $0x0  }
0x74: {  	s3 =	rddreg [dreg:$0x2];
	[bflag:$0x3] =	sbarrier.arrive $0xFFFF;
	s2 =	simm.s32 @!p0 $0x1C02  }
0x75: {  	[timem:s3], [sflag:s2] =	dma.local @!p0 [hbm:s0], s1  }
0x76: {  	s0 =	simm.s32 @!p0 $0x2  }
0x77: {  	_ =	swait.ge @!p0 [sflag:s0], s1  }
0x78: {  	s1 =	ssub.s32 @!p0 $0x0, s1;
	[sflag:s0] =	ssyncset.done @!p0 $0x0  }
0x79: {  	[sflag:s0] =	ssyncadd.s32 @!p0 s1  }
0x7a: {  	[bflag:$0x3] =	sbarrier.arrive $0xFFFF  }
0x7b: {  	_ =	shalt  }

// kernel: kernel.14.cloned.1.call-start
scs
__scs_entry_jumppad:
0x0: {  	(pc) =	sbr.rel $0x88, $3  }
0x1: {  	(tag) =	ssettag $0x0;
	lr =	simm.s32 $0x1  }
0x2: {  	[smem:$0x3F88] =	sst lr;
	_ =	strace $0xD0000000  }
0x3: {  	_ = 	snop  }
0x4: {  	_ = 	snop  }
0x5: {  	_ = 	snop  }
0x6: {  	_ = 	snop  }
0x7: {  	_ = 	snop  }
__scs_overlays_trampoline_lowered:
0x8: {  	[smem:$0x3F97] =	sst s0  }
0x9: {  	[smem:$0x3F98] =	sst s1  }
0xa: {  	[smem:$0x3F99] =	sst s2  }
0xb: {  	[smem:$0x3F9A] =	sst s3  }
0xc: {  	[smem:$0x3F9B] =	sst s4  }
0xd: {  	[smem:$0x3F9C] =	sst s5  }
0xe: {  	[smem:$0x3F9D] =	sst s6  }
0xf: {  	[smem:$0x3F9E] =	sst s7  }
0x10: {  	[smem:$0x3F9F] =	sst s8  }
0x11: {  	[smem:$0x3FA0] =	sst s9;
	s0 =	simm.s32 @!p0 $0x0  }
0x12: {  	s1 =	sld [smem:$0x3F86];
	s0 =	simm.s32 @p0 $0x1  }
0x13: {  	[smem:$0x3FA1] =	sst s0;
	s0 =	simm.s32 @!p1 $0x0  }
0x14: {  	s2 =	sld [smem:$0x3F85];
	s0 =	simm.s32 @p1 $0x1  }
0x15: {  	[smem:$0x3FA2] =	sst s0;
	s0 =	simm.s32 @!p2 $0x0  }
0x16: {  	s3 =	sld [smem:$0x3FDB];
	s0 =	simm.s32 @p2 $0x1  }
0x17: {  	s4 =	simm.s32 $0x1BF5;
	[smem:$0x3FA4] =	sst s0  }
0x18: {  	s0 =	sld [smem:$0x3F87];
	_ =	swait.ge [sflag:s4], $0x0  }
0x19: {  	s7 =	sld [smem:$0x3F88]  }
0x1a: {  	s8 =	sadd.s32 $0xFFFFE003, lr  }
0x1b: {  	s9 =	sadd.s32 $0xFFFFFEF7, lr;
	s5 =	simm.s32 $0xFFFFFFFF;
	p2 =	slt.u32 s8, $0xFFFFF086  }
0x1c: {  	p1 =	slt.u32 s9, $0xF7A;
	s5 =	simm.s32 @!p2 $0x0  }
0x1d: {  	s5 =	simm.s32 @p1 $0x1;
	p0 =	seq.s32 s7, s2  }
0x1e: {  	s7 =	smul.u32 @!p0 $0xF7A, s2;
	p2 =	seq.s32 @!p0 s5, $0x0  }
0x1f: {  	s9 =	smul.u32 $0xF7A, s1;
	s8 =	simm.s32 @!p0 $0x1BF5;
	p2 =	por !p2, p0  }
0x20: {  	[sflag:s8] =	ssyncset.s32 @!p0 $0xFFFFF086;
	s6 =	sadd.s32 @!p0 s3, s7;
	s7 =	simm.s32 @!p0 $0x108  }
0x21: {  	s3 =	sadd.s32 s3, s9;
	s6 =	sadd.s32 @!p0 $0x88, s6;
	s7 =	simm.s32 @p2 $0x1082  }
0x22: {  	[simem:s7], [sflag:s8] =	dma.local @!p0 [hbm:s6], $0xF7A  }
0x23: {  	s9 =	sor.u32 $0xD0000000, s2;
	s6 =	simm.s32 $0x108;
	_ =	swait.ge @!p0 [sflag:s8], $0x0  }
0x24: {  	s3 =	sadd.s32 $0x88, s3;
	s6 =	simm.s32 @!p1 $0x1082;
	[sflag:s4] =	ssyncset.s32 $0xFFFFF086  }
0x25: {  	[simem:s6], [sflag:s4] =	dma.local [hbm:s3], $0xF7A  }
0x26: {  	[smem:$0x3F88] =	sst s1;
	(tag) =	ssettag s2;
	_ =	strace s9  }
0x27: {  	s1 =	sld [smem:$0x3F98]  }
0x28: {  	s2 =	sld [smem:$0x3F99]  }
0x29: {  	s4 =	sld [smem:$0x3F9B]  }
0x2a: {  	p0 =	seq.s32 s5, $0x0;
	s5 =	sld [smem:$0x3F9C]  }
0x2b: {  	s6 =	sld [smem:$0x3F9D]  }
0x2c: {  	s7 =	sld [smem:$0x3F9E]  }
0x2d: {  	s3 =	simm.s32 $0x108;
	s8 =	sld [smem:$0x3F9F]  }
0x2e: {  	s3 =	simm.s32 @!p0 $0x1082;
	s9 =	sld [smem:$0x3FA0]  }
0x2f: {  	lr =	sadd.s32 s0, s3;
	s0 =	sld [smem:$0x3F97]  }
0x30: {  	s3 =	sld [smem:$0x3F9A]  }
0x31: {  	[smem:$0x3FA3] =	sst s10  }
0x32: {  	s10 =	sld [smem:$0x3FA1];
	_ =	sdelay $0x3  }
0x33: {  	p0 =	seq.s32 s10, $0x1;
	s10 =	sld [smem:$0x3FA3];
	_ =	sdelay $0x3  }
0x34: {  	[smem:$0x3FA3] =	sst s10  }
0x35: {  	s10 =	sld [smem:$0x3FA2];
	_ =	sdelay $0x3  }
0x36: {  	p1 =	seq.s32 s10, $0x1;
	s10 =	sld [smem:$0x3FA3];
	_ =	sdelay $0x3  }
0x37: {  	[smem:$0x3FA3] =	sst s10  }
0x38: {  	s10 =	sld [smem:$0x3FA4]  }
0x39: {  	_ = 	snop;
	(pc) =	sbr.ind lr, $3  }
0x3a: {  	_ = 	snop  }
0x3b: {  	_ = 	snop  }
0x3c: {  	p2 =	seq.s32 s10, $0x1;
	s10 =	sld [smem:$0x3FA3]  }
0x3d: {  	_ =	shalt  }
0x3e: {  	_ =	shalt  }
0x3f: {  	_ =	shalt  }
0x40: {  	_ =	shalt  }
0x41: {  	_ =	shalt  }
0x42: {  	_ =	shalt  }
0x43: {  	_ =	shalt  }
0x44: {  	_ =	shalt  }
0x45: {  	_ =	shalt  }
0x46: {  	_ =	shalt  }
0x47: {  	_ =	shalt  }
0x48: {  	_ =	shalt  }
0x49: {  	_ =	shalt  }
0x4a: {  	_ =	shalt  }
0x4b: {  	_ =	shalt  }
0x4c: {  	_ =	shalt  }
0x4d: {  	_ =	shalt  }
0x4e: {  	_ =	shalt  }
0x4f: {  	_ =	shalt  }
0x50: {  	_ =	shalt  }
0x51: {  	_ =	shalt  }
0x52: {  	_ =	shalt  }
0x53: {  	_ =	shalt  }
0x54: {  	_ =	shalt  }
0x55: {  	_ =	shalt  }
0x56: {  	_ =	shalt  }
0x57: {  	_ =	shalt  }
0x58: {  	_ =	shalt  }
0x59: {  	_ =	shalt  }
0x5a: {  	_ =	shalt  }
0x5b: {  	_ =	shalt  }
0x5c: {  	_ =	shalt  }
0x5d: {  	_ =	shalt  }
0x5e: {  	_ =	shalt  }
0x5f: {  	_ =	shalt  }
0x60: {  	_ =	shalt  }
0x61: {  	_ =	shalt  }
0x62: {  	_ =	shalt  }
0x63: {  	_ =	shalt  }
0x64: {  	_ =	shalt  }
0x65: {  	_ =	shalt  }
0x66: {  	_ =	shalt  }
0x67: {  	_ =	shalt  }
0x68: {  	_ =	shalt  }
0x69: {  	_ =	shalt  }
0x6a: {  	_ =	shalt  }
0x6b: {  	_ =	shalt  }
0x6c: {  	_ =	shalt  }
0x6d: {  	_ =	shalt  }
0x6e: {  	_ =	shalt  }
0x6f: {  	_ =	shalt  }
0x70: {  	_ =	shalt  }
0x71: {  	_ =	shalt  }
0x72: {  	_ =	shalt  }
0x73: {  	_ =	shalt  }
0x74: {  	_ =	shalt  }
0x75: {  	_ =	shalt  }
0x76: {  	_ =	shalt  }
0x77: {  	_ =	shalt  }
0x78: {  	_ =	shalt  }
0x79: {  	_ =	shalt  }
0x7a: {  	_ =	shalt  }
0x7b: {  	_ =	shalt  }
0x7c: {  	_ =	shalt  }
0x7d: {  	_ =	shalt  }
0x7e: {  	_ =	shalt  }
0x7f: {  	_ =	shalt  }
0x80: {  	_ =	shalt  }
0x81: {  	_ =	shalt  }
0x82: {  	_ =	shalt  }
0x83: {  	_ =	shalt  }
0x84: {  	_ =	shalt  }
0x85: {  	_ =	shalt  }
0x86: {  	_ =	shalt  }
0x87: {  	_ =	shalt  }
.Lfunc_end0:
.L_simem_size_0:
called_computation.4_lowered:
.L_overlay_start_0:
0x88: {  	s2 =	sld [smem:$0x3FD9]  }
0x89: {  	s3 =	sld [smem:$0x3FFE];
	_ =	sdelay $0x1  }
0x8a: {  	s1 =	srdreg.scid  }
0x8b: {  	s0 =	sand.u32 $0x1, s1  }
0x8c: {  	s17 =	sshll.u32 s0, $0xA;
	s2 =	sadd.s32 s3, s2  }
0x8d: {  	s2 =	sadd.s32 s2, s17  }
0x8e: {  	[smem:$0x3FAF] =	sst s2  }
0x8f: {  	_ = 	snop  }
0x90: {  	s2 =	sld [smem:$0x3FD0];
	(tm) =	ssettm $0x1  }
0x91: {  	s18 =	sld [smem:$0x3FFB];
	_ =	sdelay $0x3  }
0x92: {  	_ =	strace s18  }
0x93: {  	s3 =	sld [smem:$0x3FFC];
	_ =	sdelay $0x3  }
0x94: {  	_ =	strace s3  }
0x95: {  	s3 =	sld [smem:$0x3FFD];
	_ =	sdelay $0x3  }
0x96: {  	_ =	strace s3  }
0x97: {  	_ =	strace $0x8FFFFFFF  }
0x98: {  	s19 =	sld [smem:$0x3FDB];
	_ =	sdelay $0x1  }
0x99: {  	s4 =	simm.s32 $_scs_section_size  }
0x9a: {  	s5 =	simm.s32 $_size__tile_overlayer_lowered;
	s6 =	simm.s32 $_tile_overlayer_lowered  }
0x9b: {  	s22 =	simm.s32 $0x1BFF;
	s21 =	sshll.u32 s6, $0x1;
	s3 =	sadd.s32 s4, s19  }
0x9c: {  	s7 =	simm.s32 $0x0;
	s20 =	sshll.u32 s5, $0x1;
	s5 =	sadd.s32 s21, s3  }
0x9d: {  	[timem:s7], [sflag:s22] =	dma.local [hbm:s5], s20  }
0x9e: {  	_ =	swait.ge [sflag:s22], s20  }
0x9f: {  	s4 =	ssub.s32 $0x0, s20;
	[sflag:s22] =	ssyncset.done $0x0  }
0xa0: {  	[sflag:s22] =	ssyncadd.s32 s4;
	_ =	sdelay $0x1  }
0xa1: {  	s23 =	simm.s32 $0x1B8B  }
0xa2: {  	_ =	swait.ge [sflag:s23], $0x1  }
0xa3: {  	[sflag:s23] =	ssyncset.done $0x0  }
0xa4: {  	s25 =	simm.s32 $0x1B8E;
	s24 =	sld [smem:$0x3FFE];
	[sflag:s23] =	ssyncadd.s32 $0xFFFFFFFF  }
0xa5: {  	s26 =	simm.s32 $execute0_lowered;
	[smem:$0x3FD2] =	sst s25  }
0xa6: {  	s5 =	sshll.u32 s26, $0x1;
	_ =	strace $0x80000052;
	[dreg:$0x1] =	wrdreg $0xFFFFFFFF  }
0xa7: {  	s28 =	simm.s32 $_size_execute0_lowered;
	s3 =	sadd.s32 s3, s5;
	[dreg:$0x0] =	wrdreg $0x0  }
0xa8: {  	s5 =	sshll.u32 s28, $0x1;
	[dreg:$0x2] =	wrdreg s3  }
0xa9: {  	[dreg:$0x3] =	wrdreg s5  }
0xaa: {  	[dreg:$0x4] =	wrdreg $0xC0  }
0xab: {  	_ =	task [dreg:s7], $0x5FFFF  }
0xac: {  	[dreg:$0x1] =	wrdreg $0xFFFFFFFF  }
0xad: {  	[dreg:$0x0] =	wrdreg $0x60  }
0xae: {  	[dreg:$0x2] =	wrdreg s2  }
0xaf: {  	[dreg:$0x3] =	wrdreg s24  }
0xb0: {  	[dreg:$0x4] =	wrdreg $0x0  }
0xb1: {  	[dreg:$0x5] =	wrdreg $0x9  }
0xb2: {  	_ =	task.clear_ibuf [dreg:s7], $0x6FFFF;
	_ =	strace $0x90000052  }
0xb3: {  	s29 =	simm.s32 $0x9;
	_ =	strace $0x80000054  }
0xb4: {  	_ =	swait.ge [sflag:s29], $0x1  }
0xb5: {  	[sflag:s29] =	ssyncadd.s32 $0xFFFFFFFF  }
0xb6: {  	_ =	strace $0x90000054  }
0xb7: {  	_ =	sfence  }
0xb8: {  	s30 =	sld [smem:$0x0];
	_ =	sdelay $0x2  }
0xb9: {  	s31 =	sshll.u32 s1, $0xD;
	s1 =	sshrl.u32 s1, $0x2  }
0xba: {  	s3 =	sand.u32 $0x4000, s31;
	s1 =	sadd.s32 s1, s30  }
0xbb: {  	s0 =	sor.u32 s3, s0;
	s1 =	sshll.u32 s1, $0x11  }
0xbc: {  	s0 =	sor.u32 s1, s0  }
0xbd: {  	s0 =	sadd.s32 $0x8F2B, s0  }
0xbe: {  	[sflag:s0] =	ssyncadd.remote.s32 $0x1  }
0xbf: {  	_ =	sfence.sel $0xFFFF  }
0xc0: {  	[dreg:$0x0] =	wrdreg $0xFFFFFFFF;
	(pc) =	sbr.abs _section_cstart, $3  }
0xc1: {  	[dreg:$0x1] =	wrdreg $0xFFFFFFFF  }
0xc2: {  	_ =	task.clear_ibuf [dreg:s7], $0x2FFFF;
	_ =	strace $0x9FFFFFFF  }
0xc3: {  	(tm) =	ssettm $0x7FFFFFFF  }
tec
execute0_lowered:
.L_overlay_start_1:
0x0: {  	(tag) =	ssettag $0x1  }
0x1: {  	s0 =	rddreg [dreg:$0x0]  }
0x2: {  	s5 =	rddreg [dreg:$0x1];
	s1 =	srdreg.scid  }
0x3: {  	s2 =	rddreg [dreg:$0x2];
	s3 =	stileid.u32  }
0x4: {  	s4 =	simm.s32 $0x0;
	s13 =	simm.s32 $0x13880;
	s14 =	simm.s32 $0x2  }
0x5: {  	s15 =	simm.s32 $0x1D480;
	s16 =	simm.s32 $0x1D500;
	s17 =	simm.s32 $0x50  }
0x6: {  	s18 =	simm.s32 $0x1D580;
	s19 =	simm.s32 $0x1;
	s8 =	smul.u32 $0x2710, s3  }
0x7: {  	s6 =	sand.u32 $0x1, s1;
	s1 =	rddreg [dreg:$0x3];
	s9 =	smul.u32 $0x13800, s3  }
0x8: {  	s20 =	simm.s32 $0x0;
	[smem:$0x7FF] =	sst s4;
	s7 =	smul.u32 $0x27100, s6  }
0x9: {  	s28 =	sadd.s32 $0x2B400, s5;
	s26 =	smul.u32 $0x138800, s6;
	s6 =	ssub.s32 $0x2, s6  }
0xa: {  	s31 =	smul.u32 $0x4E000, s3;
	p0 =	sne.s32 s3, $0x0;
	s29 =	sshrl.u32 s6, $0x1  }
0xb: {  	_ =	strace $0x80000053;
	s7 =	sadd.s32 s8, s7;
	s10 =	ssub.s32 s6, s29  }
0xc: {  	s30 =	sadd.s32 s9, s26;
	s8 =	sshrl.u32 s26, $0x3;
	s9 =	sshrl.u32 s31, $0x2  }
0xd: {  	s7 =	sshrl.u32 s7, $0x3;
	s6 =	sshrl.u32 s30, $0x3;
	s8 =	sadd.s32 s28, s8  }
0xe: {  	s12 =	sadd.s32 s7, s5;
	s5 =	sadd.s32 $0x138000, s2;
	s6 =	sadd.s32 s28, s6  }
0xf: {  	s7 =	sadd.s32 s9, s2;
	s8 =	sadd.s32 $0x27000, s8;
	s9 =	smax.u32 s10, $0x1  }
0x10: {  	v0 =	vimm.f32 $0.0e+00;
	s10 =	sadd.s32 $0x9C00, s7;
	s11 =	sadd.s32 $0x17800, s12;
	s12 =	sadd.s32 $0x21600, s12  }
.LBB2_1:
0x11: {  	s21 =	simm.s32 $0x70;
	s22 =	simm.s32 $0x3C0  }
.LBB2_2:
0x12: {  	p1 =	sne.s32 s22, $0x26FC0;
	[tilespmem:s21+$0x13880] =	vst v0  }
0x13: {  	[tilespmem:s21+$0x13810] =	vst v0  }
0x14: {  	[tilespmem:s21+$0x13820] =	vst v0  }
.Ltmp0:
0x15: {  	[tilespmem:s21+$0x13830] =	vst v0;
	(pc) =	sbr.rel @p1 .LBB2_2-.Ltmp0, $4  }
0x16: {  	[tilespmem:s21+$0x13840] =	vst v0  }
0x17: {  	[tilespmem:s21+$0x13850] =	vst v0  }
0x18: {  	[tilespmem:s21+$0x13860] =	vst v0  }
0x19: {  	[tilespmem:s21+$0x13870] =	vst v0;
	s21 =	sshra.s32 s22, $0x2;
	s22 =	sadd.s32 $0x200, s22  }
0x1a: {  	[tilespmem:s21+$0x13880] =	vst v0  }
0x1b: {  	[tilespmem:s21+$0x13810] =	vst v0  }
0x1c: {  	[tilespmem:s21+$0x13820] =	vst v0  }
0x1d: {  	[tilespmem:s21+$0x13830] =	vst v0  }
0x1e: {  	[tilespmem:s21+$0x13840] =	vst v0  }
0x1f: {  	[tilespmem:s21+$0x13850] =	vst v0  }
0x20: {  	[tilespmem:s21+$0x13860] =	vst v0  }
0x21: {  	[tilespmem:s21+$0x13870] =	vst v0  }
0x22: {  	[spmem:s7] =	stream.linear.scatter [tilespmem:s13], [sflag:$0x2], $0x9C00, $0x38;
	[tilespmem:$0x1FD80] =	vst v63  }
0x23: {  	_ =	swait.ge [sflag:s14], $0x9C00  }
0x24: {  	[sflag:s14] =	ssyncset.done $0x0  }
0x25: {  	[sflag:s14] =	ssyncadd.s32 $0xFFFF6400  }
0x26: {  	[spmem:s10] =	stream.linear.scatter [tilespmem:s13], [sflag:$0x2], $0x9C00, $0x38;
	[tilespmem:$0x1FD80] =	vst v63  }
0x27: {  	_ =	swait.ge [sflag:s14], $0x9C00  }
0x28: {  	[sflag:s14] =	ssyncset.done $0x0  }
0x29: {  	s21 =	simm.s32 @!p0 $0x13880;
	[sflag:s14] =	ssyncadd.s32 $0xFFFF6400  }
0x2a: {  	[spmem:s5] =	stream.linear.scatter @!p0 [tilespmem:s21], [sflag:$0x2], $0x800, $0x38;
	[tilespmem:$0x1FD80] =	vst v63  }
0x2b: {  	s21 =	simm.s32 @!p0 $0x2  }
0x2c: {  	_ =	swait.ge @!p0 [sflag:s21], $0x800  }
0x2d: {  	[sflag:s21] =	ssyncset.done @!p0 $0x0  }
0x2e: {  	[sflag:s21] =	ssyncadd.s32 @!p0 $0xFFFFF800  }
0x2f: {  	s30 =	sadd.s32 $0x0, s12;
	[bflag:$0x0] =	sbarrier.arrive $0xFFFF  }
0x30: {  	[tilespmem:s15], [sflag:$0x2] =	stream.linear.gather [hbm4b:s30+s4], $0x50, $0x38;
	[tilespmem:$0x1FD80] =	vst v63  }
0x31: {  	_ =	swait.ge [sflag:s14], $0x50  }
0x32: {  	[sflag:s14] =	ssyncset.done $0x0  }
0x33: {  	s31 =	sadd.s32 $0x0, s11;
	[sflag:s14] =	ssyncadd.s32 $0xFFFFFFB0  }
0x34: {  	[tilespmem:s16], [sflag:$0x2] =	stream.linear.gather [hbm4b:s31+s4], $0x50, $0x38;
	[tilespmem:$0x1FD80] =	vst v63  }
0x35: {  	_ =	swait.ge [sflag:s14], $0x50  }
0x36: {  	[sflag:s14] =	ssyncset.done $0x0  }
0x37: {  	[sflag:s14] =	ssyncadd.s32 $0xFFFFFFB0  }
0x38: {  	[tilespmem:s18], [sflag:$0x1] =	stream.indirect.gather [hbm4b:s0+s17], $0x80, s15, s17, $0xb8;
	[tilespmem:$0x1FD80] =	vst v63  }
0x39: {  	_ =	swait.ge [sflag:s19], $0x2800  }
0x3a: {  	[sflag:s19] =	ssyncset.done $0x0  }
0x3b: {  	[sflag:s19] =	ssyncadd.s32 $0xFFFFD800  }
0x3c: {  	[spmem:s2] =	stream.indirect.scatter.add.f32 [tilespmem:s18], [sflag:$0x2], $0x80, s16, s17, $0xb8;
	[tilespmem:$0x1FD80] =	vst v63  }
0x3d: {  	_ =	swait.ge [sflag:s14], $0x2800  }
0x3e: {  	s22 =	simm.s32 $0x14;
	s21 =	simm.s32 $0xA;
	[sflag:s14] =	ssyncset.done $0x0  }
.LBB2_4:
0x3f: {  	s23 =	sadd.s32 s21, s12  }
0x40: {  	[sflag:s14] =	ssyncadd.s32 $0xFFFFD800;
	s24 =	smov.u32 s22;
	s25 =	sadd.s32 $0xA, s22  }
0x41: {  	[tilespmem:s15], [sflag:$0x2] =	stream.linear.gather [hbm4b:s23+s4], $0x50, $0x38;
	[tilespmem:$0x1FD80] =	vst v63  }
0x42: {  	p1 =	sne.s32 s22, $0x4D8;
	_ =	swait.ge [sflag:s14], $0x50  }
0x43: {  	[sflag:s14] =	ssyncset.done $0x0  }
0x44: {  	s22 =	sadd.s32 s21, s11;
	s21 =	smov.u32 s24;
	[sflag:s14] =	ssyncadd.s32 $0xFFFFFFB0  }
0x45: {  	[tilespmem:s16], [sflag:$0x2] =	stream.linear.gather [hbm4b:s22+s4], $0x50, $0x38;
	[tilespmem:$0x1FD80] =	vst v63  }
0x46: {  	_ =	swait.ge [sflag:s14], $0x50  }
0x47: {  	[sflag:s14] =	ssyncset.done $0x0  }
0x48: {  	[sflag:s14] =	ssyncadd.s32 $0xFFFFFFB0  }
0x49: {  	[tilespmem:s18], [sflag:$0x1] =	stream.indirect.gather [hbm4b:s0+s17], $0x80, s15, s17, $0xb8;
	[tilespmem:$0x1FD80] =	vst v63  }
0x4a: {  	_ =	swait.ge [sflag:s19], $0x2800  }
.Ltmp1:
0x4b: {  	[sflag:s19] =	ssyncset.done $0x0;
	(pc) =	sbr.rel @p1 .LBB2_4-.Ltmp1, $4  }
0x4c: {  	[sflag:s19] =	ssyncadd.s32 $0xFFFFD800  }
0x4d: {  	[spmem:s2] =	stream.indirect.scatter.add.f32 [tilespmem:s18], [sflag:$0x2], $0x80, s16, s17, $0xb8;
	[tilespmem:$0x1FD80] =	vst v63  }
0x4e: {  	_ =	swait.ge [sflag:s14], $0x2800  }
0x4f: {  	s22 =	smov.u32 s25;
	[sflag:s14] =	ssyncset.done $0x0  }
0x50: {  	s22 =	sadd.s32 s21, s12;
	[sflag:s14] =	ssyncadd.s32 $0xFFFFD800  }
0x51: {  	[tilespmem:s15], [sflag:$0x2] =	stream.linear.gather [hbm4b:s22+s4], $0x50, $0x38;
	[tilespmem:$0x1FD80] =	vst v63  }
0x52: {  	_ =	swait.ge [sflag:s14], $0x50  }
0x53: {  	[sflag:s14] =	ssyncset.done $0x0  }
0x54: {  	s29 =	sadd.s32 s21, s11;
	[sflag:s14] =	ssyncadd.s32 $0xFFFFFFB0  }
0x55: {  	[tilespmem:s16], [sflag:$0x2] =	stream.linear.gather [hbm4b:s29+s4], $0x50, $0x38;
	[tilespmem:$0x1FD80] =	vst v63  }
0x56: {  	_ =	swait.ge [sflag:s14], $0x50  }
0x57: {  	[sflag:s14] =	ssyncset.done $0x0  }
0x58: {  	[sflag:s14] =	ssyncadd.s32 $0xFFFFFFB0  }
0x59: {  	[tilespmem:s18], [sflag:$0x1] =	stream.indirect.gather [hbm4b:s0+s17], $0x80, s15, s17, $0xb8;
	[tilespmem:$0x1FD80] =	vst v63  }
0x5a: {  	_ =	swait.ge [sflag:s19], $0x2800  }
0x5b: {  	[sflag:s19] =	ssyncset.done $0x0  }
0x5c: {  	[sflag:s19] =	ssyncadd.s32 $0xFFFFD800  }
0x5d: {  	[spmem:s2] =	stream.indirect.scatter.add.f32 [tilespmem:s18], [sflag:$0x2], $0x80, s16, s17, $0xb8;
	[tilespmem:$0x1FD80] =	vst v63  }
0x5e: {  	_ =	swait.ge [sflag:s14], $0x2800  }
0x5f: {  	[sflag:s14] =	ssyncset.done $0x0  }
0x60: {  	s30 =	sshll.u32 s3, $0x6;
	[sflag:s14] =	ssyncadd.s32 $0xFFFFD800  }
0x61: {  	s31 =	sshrl.u32 s7, $0x3;
	s21 =	sor.u32 $0x1C02, s30;
	[bflag:$0x0] =	sbarrier.arrive $0xFFFF  }
0x62: {  	[hbm:s6], [sflag:s21] =	dma.local [spmem:s31], $0x2700  }
0x63: {  	_ =	swait.ge [sflag:s14], $0x2700  }
0x64: {  	s20 =	sadd.s32 $0x1, s20;
	[sflag:s14] =	ssyncset.done $0x0  }
0x65: {  	s22 =	sshrl.u32 @!p0 s5, $0x3;
	p1 =	sne.s32 s20, s9;
	[sflag:s14] =	ssyncadd.s32 $0xFFFFD900  }
0x66: {  	[hbm:s8], [sflag:s21] =	dma.local @!p0 [spmem:s22], $0x100  }
.Ltmp2:
0x67: {  	_ = 	snop;
	(pc) =	sbr.rel @p1 .LBB2_1-.Ltmp2, $4  }
0x68: {  	s21 =	simm.s32 @!p0 $0x2  }
0x69: {  	_ =	swait.ge @!p0 [sflag:s21], $0x100  }
0x6a: {  	[sflag:s21] =	ssyncset.done @!p0 $0x0  }
0x6b: {  	[sflag:s21] =	ssyncadd.s32 @!p0 $0xFFFFFF00  }
0x6c: {  	_ =	sfence.sel $0x180000  }
0x6d: {  	[bflag:$0x0] =	sbarrier.arrive $0xFFFF  }
0x6e: {  	_ =	strace $0x90000053  }
0x6f: {  	s0 =	sadd.s32 @!p0 $0x100000, s1;
	[bflag:$0x2] =	sbarrier.arrive $0xFFFF  }
0x70: {  	[sflag:s0] =	ssyncadd.tile.s32 @!p0 $0x1;
	_ =	shalt  }
.Lfunc_end2:
_tile_overlayer_lowered:
.L_overlay_start_2:
0x71: {  	(tag) =	ssettag $0x2  }
0x72: {  	s0 =	rddreg [dreg:$0x0];
	s2 =	stileid.u32  }
0x73: {  	s1 =	rddreg [dreg:$0x1];
	p0 =	sne.s32 s2, $0x0  }
0x74: {  	s3 =	rddreg [dreg:$0x2];
	[bflag:$0x3] =	sbarrier.arrive $0xFFFF;
	s2 =	simm.s32 @!p0 $0x1C02  }
0x75: {  	[timem:s3], [sflag:s2] =	dma.local @!p0 [hbm:s0], s1  }
0x76: {  	s0 =	simm.s32 @!p0 $0x2  }
0x77: {  	_ =	swait.ge @!p0 [sflag:s0], s1  }
0x78: {  	s1 =	ssub.s32 @!p0 $0x0, s1;
	[sflag:s0] =	ssyncset.done @!p0 $0x0  }
0x79: {  	[sflag:s0] =	ssyncadd.s32 @!p0 s1  }
0x7a: {  	[bflag:$0x3] =	sbarrier.arrive $0xFFFF  }
0x7b: {  	_ =	shalt  }

// kernel: kernel.8.cloned.1.call-start
scs
__scs_entry_jumppad:
0x0: {  	(pc) =	sbr.rel $0x88, $3  }
0x1: {  	(tag) =	ssettag $0x0;
	lr =	simm.s32 $0x1  }
0x2: {  	[smem:$0x3F88] =	sst lr;
	_ =	strace $0xD0000000  }
0x3: {  	_ = 	snop  }
0x4: {  	_ = 	snop  }
0x5: {  	_ = 	snop  }
0x6: {  	_ = 	snop  }
0x7: {  	_ = 	snop  }
__scs_overlays_trampoline_lowered:
0x8: {  	[smem:$0x3F97] =	sst s0  }
0x9: {  	[smem:$0x3F98] =	sst s1  }
0xa: {  	[smem:$0x3F99] =	sst s2  }
0xb: {  	[smem:$0x3F9A] =	sst s3  }
0xc: {  	[smem:$0x3F9B] =	sst s4  }
0xd: {  	[smem:$0x3F9C] =	sst s5  }
0xe: {  	[smem:$0x3F9D] =	sst s6  }
0xf: {  	[smem:$0x3F9E] =	sst s7  }
0x10: {  	[smem:$0x3F9F] =	sst s8  }
0x11: {  	[smem:$0x3FA0] =	sst s9;
	s0 =	simm.s32 @!p0 $0x0  }
0x12: {  	s1 =	sld [smem:$0x3F86];
	s0 =	simm.s32 @p0 $0x1  }
0x13: {  	[smem:$0x3FA1] =	sst s0;
	s0 =	simm.s32 @!p1 $0x0  }
0x14: {  	s2 =	sld [smem:$0x3F85];
	s0 =	simm.s32 @p1 $0x1  }
0x15: {  	[smem:$0x3FA2] =	sst s0;
	s0 =	simm.s32 @!p2 $0x0  }
0x16: {  	s3 =	sld [smem:$0x3FDB];
	s0 =	simm.s32 @p2 $0x1  }
0x17: {  	s4 =	simm.s32 $0x1BF5;
	[smem:$0x3FA4] =	sst s0  }
0x18: {  	s0 =	sld [smem:$0x3F87];
	_ =	swait.ge [sflag:s4], $0x0  }
0x19: {  	s7 =	sld [smem:$0x3F88]  }
0x1a: {  	s8 =	sadd.s32 $0xFFFFE003, lr  }
0x1b: {  	s9 =	sadd.s32 $0xFFFFFEF7, lr;
	s5 =	simm.s32 $0xFFFFFFFF;
	p2 =	slt.u32 s8, $0xFFFFF086  }
0x1c: {  	p1 =	slt.u32 s9, $0xF7A;
	s5 =	simm.s32 @!p2 $0x0  }
0x1d: {  	s5 =	simm.s32 @p1 $0x1;
	p0 =	seq.s32 s7, s2  }
0x1e: {  	s7 =	smul.u32 @!p0 $0xF7A, s2;
	p2 =	seq.s32 @!p0 s5, $0x0  }
0x1f: {  	s9 =	smul.u32 $0xF7A, s1;
	s8 =	simm.s32 @!p0 $0x1BF5;
	p2 =	por !p2, p0  }
0x20: {  	[sflag:s8] =	ssyncset.s32 @!p0 $0xFFFFF086;
	s6 =	sadd.s32 @!p0 s3, s7;
	s7 =	simm.s32 @!p0 $0x108  }
0x21: {  	s3 =	sadd.s32 s3, s9;
	s6 =	sadd.s32 @!p0 $0x88, s6;
	s7 =	simm.s32 @p2 $0x1082  }
0x22: {  	[simem:s7], [sflag:s8] =	dma.local @!p0 [hbm:s6], $0xF7A  }
0x23: {  	s9 =	sor.u32 $0xD0000000, s2;
	s6 =	simm.s32 $0x108;
	_ =	swait.ge @!p0 [sflag:s8], $0x0  }
0x24: {  	s3 =	sadd.s32 $0x88, s3;
	s6 =	simm.s32 @!p1 $0x1082;
	[sflag:s4] =	ssyncset.s32 $0xFFFFF086  }
0x25: {  	[simem:s6], [sflag:s4] =	dma.local [hbm:s3], $0xF7A  }
0x26: {  	[smem:$0x3F88] =	sst s1;
	(tag) =	ssettag s2;
	_ =	strace s9  }
0x27: {  	s1 =	sld [smem:$0x3F98]  }
0x28: {  	s2 =	sld [smem:$0x3F99]  }
0x29: {  	s4 =	sld [smem:$0x3F9B]  }
0x2a: {  	p0 =	seq.s32 s5, $0x0;
	s5 =	sld [smem:$0x3F9C]  }
0x2b: {  	s6 =	sld [smem:$0x3F9D]  }
0x2c: {  	s7 =	sld [smem:$0x3F9E]  }
0x2d: {  	s3 =	simm.s32 $0x108;
	s8 =	sld [smem:$0x3F9F]  }
0x2e: {  	s3 =	simm.s32 @!p0 $0x1082;
	s9 =	sld [smem:$0x3FA0]  }
0x2f: {  	lr =	sadd.s32 s0, s3;
	s0 =	sld [smem:$0x3F97]  }
0x30: {  	s3 =	sld [smem:$0x3F9A]  }
0x31: {  	[smem:$0x3FA3] =	sst s10  }
0x32: {  	s10 =	sld [smem:$0x3FA1];
	_ =	sdelay $0x3  }
0x33: {  	p0 =	seq.s32 s10, $0x1;
	s10 =	sld [smem:$0x3FA3];
	_ =	sdelay $0x3  }
0x34: {  	[smem:$0x3FA3] =	sst s10  }
0x35: {  	s10 =	sld [smem:$0x3FA2];
	_ =	sdelay $0x3  }
0x36: {  	p1 =	seq.s32 s10, $0x1;
	s10 =	sld [smem:$0x3FA3];
	_ =	sdelay $0x3  }
0x37: {  	[smem:$0x3FA3] =	sst s10  }
0x38: {  	s10 =	sld [smem:$0x3FA4]  }
0x39: {  	_ = 	snop;
	(pc) =	sbr.ind lr, $3  }
0x3a: {  	_ = 	snop  }
0x3b: {  	_ = 	snop  }
0x3c: {  	p2 =	seq.s32 s10, $0x1;
	s10 =	sld [smem:$0x3FA3]  }
0x3d: {  	_ =	shalt  }
0x3e: {  	_ =	shalt  }
0x3f: {  	_ =	shalt  }
0x40: {  	_ =	shalt  }
0x41: {  	_ =	shalt  }
0x42: {  	_ =	shalt  }
0x43: {  	_ =	shalt  }
0x44: {  	_ =	shalt  }
0x45: {  	_ =	shalt  }
0x46: {  	_ =	shalt  }
0x47: {  	_ =	shalt  }
0x48: {  	_ =	shalt  }
0x49: {  	_ =	shalt  }
0x4a: {  	_ =	shalt  }
0x4b: {  	_ =	shalt  }
0x4c: {  	_ =	shalt  }
0x4d: {  	_ =	shalt  }
0x4e: {  	_ =	shalt  }
0x4f: {  	_ =	shalt  }
0x50: {  	_ =	shalt  }
0x51: {  	_ =	shalt  }
0x52: {  	_ =	shalt  }
0x53: {  	_ =	shalt  }
0x54: {  	_ =	shalt  }
0x55: {  	_ =	shalt  }
0x56: {  	_ =	shalt  }
0x57: {  	_ =	shalt  }
0x58: {  	_ =	shalt  }
0x59: {  	_ =	shalt  }
0x5a: {  	_ =	shalt  }
0x5b: {  	_ =	shalt  }
0x5c: {  	_ =	shalt  }
0x5d: {  	_ =	shalt  }
0x5e: {  	_ =	shalt  }
0x5f: {  	_ =	shalt  }
0x60: {  	_ =	shalt  }
0x61: {  	_ =	shalt  }
0x62: {  	_ =	shalt  }
0x63: {  	_ =	shalt  }
0x64: {  	_ =	shalt  }
0x65: {  	_ =	shalt  }
0x66: {  	_ =	shalt  }
0x67: {  	_ =	shalt  }
0x68: {  	_ =	shalt  }
0x69: {  	_ =	shalt  }
0x6a: {  	_ =	shalt  }
0x6b: {  	_ =	shalt  }
0x6c: {  	_ =	shalt  }
0x6d: {  	_ =	shalt  }
0x6e: {  	_ =	shalt  }
0x6f: {  	_ =	shalt  }
0x70: {  	_ =	shalt  }
0x71: {  	_ =	shalt  }
0x72: {  	_ =	shalt  }
0x73: {  	_ =	shalt  }
0x74: {  	_ =	shalt  }
0x75: {  	_ =	shalt  }
0x76: {  	_ =	shalt  }
0x77: {  	_ =	shalt  }
0x78: {  	_ =	shalt  }
0x79: {  	_ =	shalt  }
0x7a: {  	_ =	shalt  }
0x7b: {  	_ =	shalt  }
0x7c: {  	_ =	shalt  }
0x7d: {  	_ =	shalt  }
0x7e: {  	_ =	shalt  }
0x7f: {  	_ =	shalt  }
0x80: {  	_ =	shalt  }
0x81: {  	_ =	shalt  }
0x82: {  	_ =	shalt  }
0x83: {  	_ =	shalt  }
0x84: {  	_ =	shalt  }
0x85: {  	_ =	shalt  }
0x86: {  	_ =	shalt  }
0x87: {  	_ =	shalt  }
.Lfunc_end0:
.L_simem_size_0:
called_computation.2_lowered:
.L_overlay_start_0:
0x88: {  	s2 =	sld [smem:$0x3FD9]  }
0x89: {  	s3 =	sld [smem:$0x3FFE];
	_ =	sdelay $0x1  }
0x8a: {  	s1 =	srdreg.scid  }
0x8b: {  	s0 =	sand.u32 $0x1, s1  }
0x8c: {  	s17 =	sshll.u32 s0, $0xA;
	s2 =	sadd.s32 s3, s2  }
0x8d: {  	s2 =	sadd.s32 s2, s17  }
0x8e: {  	[smem:$0x3FAF] =	sst s2  }
0x8f: {  	_ = 	snop  }
0x90: {  	s2 =	sld [smem:$0x3FC9];
	(tm) =	ssettm $0x1  }
0x91: {  	s18 =	sld [smem:$0x3FFB];
	_ =	sdelay $0x3  }
0x92: {  	_ =	strace s18  }
0x93: {  	s3 =	sld [smem:$0x3FFC];
	_ =	sdelay $0x3  }
0x94: {  	_ =	strace s3  }
0x95: {  	s3 =	sld [smem:$0x3FFD];
	_ =	sdelay $0x3  }
0x96: {  	_ =	strace s3  }
0x97: {  	_ =	strace $0x8FFFFFFF  }
0x98: {  	s19 =	sld [smem:$0x3FDB];
	_ =	sdelay $0x1  }
0x99: {  	s4 =	simm.s32 $_scs_section_size  }
0x9a: {  	s5 =	simm.s32 $_size__tile_overlayer_lowered;
	s6 =	simm.s32 $_tile_overlayer_lowered  }
0x9b: {  	s22 =	simm.s32 $0x1BFF;
	s21 =	sshll.u32 s6, $0x1;
	s3 =	sadd.s32 s4, s19  }
0x9c: {  	s7 =	simm.s32 $0x0;
	s20 =	sshll.u32 s5, $0x1;
	s5 =	sadd.s32 s21, s3  }
0x9d: {  	[timem:s7], [sflag:s22] =	dma.local [hbm:s5], s20  }
0x9e: {  	_ =	swait.ge [sflag:s22], s20  }
0x9f: {  	s4 =	ssub.s32 $0x0, s20;
	[sflag:s22] =	ssyncset.done $0x0  }
0xa0: {  	[sflag:s22] =	ssyncadd.s32 s4;
	_ =	sdelay $0x1  }
0xa1: {  	s23 =	simm.s32 $0x1B8B  }
0xa2: {  	_ =	swait.ge [sflag:s23], $0x1  }
0xa3: {  	[sflag:s23] =	ssyncset.done $0x0  }
0xa4: {  	s25 =	simm.s32 $0x1B8E;
	s24 =	sld [smem:$0x3FFE];
	[sflag:s23] =	ssyncadd.s32 $0xFFFFFFFF  }
0xa5: {  	s26 =	simm.s32 $execute0_lowered;
	[smem:$0x3FD2] =	sst s25  }
0xa6: {  	s5 =	sshll.u32 s26, $0x1;
	_ =	strace $0x8000004C;
	[dreg:$0x1] =	wrdreg $0xFFFFFFFF  }
0xa7: {  	s28 =	simm.s32 $_size_execute0_lowered;
	s3 =	sadd.s32 s3, s5;
	[dreg:$0x0] =	wrdreg $0x0  }
0xa8: {  	s5 =	sshll.u32 s28, $0x1;
	[dreg:$0x2] =	wrdreg s3  }
0xa9: {  	[dreg:$0x3] =	wrdreg s5  }
0xaa: {  	[dreg:$0x4] =	wrdreg $0xC0  }
0xab: {  	_ =	task [dreg:s7], $0x5FFFF  }
0xac: {  	[dreg:$0x1] =	wrdreg $0xFFFFFFFF  }
0xad: {  	[dreg:$0x0] =	wrdreg $0x60  }
0xae: {  	[dreg:$0x2] =	wrdreg s2  }
0xaf: {  	[dreg:$0x3] =	wrdreg s24  }
0xb0: {  	[dreg:$0x4] =	wrdreg $0x0  }
0xb1: {  	[dreg:$0x5] =	wrdreg $0x9  }
0xb2: {  	_ =	task.clear_ibuf [dreg:s7], $0x6FFFF;
	_ =	strace $0x9000004C  }
0xb3: {  	s29 =	simm.s32 $0x9;
	_ =	strace $0x8000004E  }
0xb4: {  	_ =	swait.ge [sflag:s29], $0x1  }
0xb5: {  	[sflag:s29] =	ssyncadd.s32 $0xFFFFFFFF  }
0xb6: {  	_ =	strace $0x9000004E  }
0xb7: {  	_ =	sfence  }
0xb8: {  	s30 =	sld [smem:$0x0];
	_ =	sdelay $0x2  }
0xb9: {  	s31 =	sshll.u32 s1, $0xD;
	s1 =	sshrl.u32 s1, $0x2  }
0xba: {  	s3 =	sand.u32 $0x4000, s31;
	s1 =	sadd.s32 s1, s30  }
0xbb: {  	s0 =	sor.u32 s3, s0;
	s1 =	sshll.u32 s1, $0x11  }
0xbc: {  	s0 =	sor.u32 s1, s0  }
0xbd: {  	s0 =	sadd.s32 $0x8F2B, s0  }
0xbe: {  	[sflag:s0] =	ssyncadd.remote.s32 $0x1  }
0xbf: {  	_ =	sfence.sel $0xFFFF  }
0xc0: {  	[dreg:$0x0] =	wrdreg $0xFFFFFFFF;
	(pc) =	sbr.abs _section_cstart, $3  }
0xc1: {  	[dreg:$0x1] =	wrdreg $0xFFFFFFFF  }
0xc2: {  	_ =	task.clear_ibuf [dreg:s7], $0x2FFFF;
	_ =	strace $0x9FFFFFFF  }
0xc3: {  	(tm) =	ssettm $0x7FFFFFFF  }
tec
execute0_lowered:
.L_overlay_start_1:
0x0: {  	(tag) =	ssettag $0x1  }
0x1: {  	s0 =	rddreg [dreg:$0x0]  }
0x2: {  	s5 =	rddreg [dreg:$0x1];
	s1 =	srdreg.scid  }
0x3: {  	s2 =	rddreg [dreg:$0x2];
	s3 =	stileid.u32  }
0x4: {  	s4 =	simm.s32 $0x0;
	s13 =	simm.s32 $0x13880;
	s14 =	simm.s32 $0x2  }
0x5: {  	s15 =	simm.s32 $0x1D480;
	s16 =	simm.s32 $0x1D500;
	s17 =	simm.s32 $0x50  }
0x6: {  	s18 =	simm.s32 $0x1D580;
	s19 =	simm.s32 $0x1;
	s8 =	smul.u32 $0x2710, s3  }
0x7: {  	s6 =	sand.u32 $0x1, s1;
	s1 =	rddreg [dreg:$0x3];
	s9 =	smul.u32 $0x13800, s3  }
0x8: {  	s20 =	simm.s32 $0x0;
	[smem:$0x7FF] =	sst s4;
	s7 =	smul.u32 $0x27100, s6  }
0x9: {  	s28 =	sadd.s32 $0x2B400, s5;
	s26 =	smul.u32 $0x138800, s6;
	s6 =	ssub.s32 $0x2, s6  }
0xa: {  	s31 =	smul.u32 $0x4E000, s3;
	p0 =	sne.s32 s3, $0x0;
	s29 =	sshrl.u32 s6, $0x1  }
0xb: {  	_ =	strace $0x8000004D;
	s7 =	sadd.s32 s8, s7;
	s10 =	ssub.s32 s6, s29  }
0xc: {  	s30 =	sadd.s32 s9, s26;
	s8 =	sshrl.u32 s26, $0x3;
	s9 =	sshrl.u32 s31, $0x2  }
0xd: {  	s7 =	sshrl.u32 s7, $0x3;
	s6 =	sshrl.u32 s30, $0x3;
	s8 =	sadd.s32 s28, s8  }
0xe: {  	s12 =	sadd.s32 s7, s5;
	s5 =	sadd.s32 $0x138000, s2;
	s6 =	sadd.s32 s28, s6  }
0xf: {  	s7 =	sadd.s32 s9, s2;
	s8 =	sadd.s32 $0x27000, s8;
	s9 =	smax.u32 s10, $0x1  }
0x10: {  	v0 =	vimm.f32 $0.0e+00;
	s10 =	sadd.s32 $0x9C00, s7;
	s11 =	sadd.s32 $0x17800, s12;
	s12 =	sadd.s32 $0x21600, s12  }
.LBB2_1:
0x11: {  	s21 =	simm.s32 $0x70;
	s22 =	simm.s32 $0x3C0  }
.LBB2_2:
0x12: {  	p1 =	sne.s32 s22, $0x26FC0;
	[tilespmem:s21+$0x13880] =	vst v0  }
0x13: {  	[tilespmem:s21+$0x13810] =	vst v0  }
0x14: {  	[tilespmem:s21+$0x13820] =	vst v0  }
.Ltmp0:
0x15: {  	[tilespmem:s21+$0x13830] =	vst v0;
	(pc) =	sbr.rel @p1 .LBB2_2-.Ltmp0, $4  }
0x16: {  	[tilespmem:s21+$0x13840] =	vst v0  }
0x17: {  	[tilespmem:s21+$0x13850] =	vst v0  }
0x18: {  	[tilespmem:s21+$0x13860] =	vst v0  }
0x19: {  	[tilespmem:s21+$0x13870] =	vst v0;
	s21 =	sshra.s32 s22, $0x2;
	s22 =	sadd.s32 $0x200, s22  }
0x1a: {  	[tilespmem:s21+$0x13880] =	vst v0  }
0x1b: {  	[tilespmem:s21+$0x13810] =	vst v0  }
0x1c: {  	[tilespmem:s21+$0x13820] =	vst v0  }
0x1d: {  	[tilespmem:s21+$0x13830] =	vst v0  }
0x1e: {  	[tilespmem:s21+$0x13840] =	vst v0  }
0x1f: {  	[tilespmem:s21+$0x13850] =	vst v0  }
0x20: {  	[tilespmem:s21+$0x13860] =	vst v0  }
0x21: {  	[tilespmem:s21+$0x13870] =	vst v0  }
0x22: {  	[spmem:s7] =	stream.linear.scatter [tilespmem:s13], [sflag:$0x2], $0x9C00, $0x38;
	[tilespmem:$0x1FD80] =	vst v63  }
0x23: {  	_ =	swait.ge [sflag:s14], $0x9C00  }
0x24: {  	[sflag:s14] =	ssyncset.done $0x0  }
0x25: {  	[sflag:s14] =	ssyncadd.s32 $0xFFFF6400  }
0x26: {  	[spmem:s10] =	stream.linear.scatter [tilespmem:s13], [sflag:$0x2], $0x9C00, $0x38;
	[tilespmem:$0x1FD80] =	vst v63  }
0x27: {  	_ =	swait.ge [sflag:s14], $0x9C00  }
0x28: {  	[sflag:s14] =	ssyncset.done $0x0  }
0x29: {  	s21 =	simm.s32 @!p0 $0x13880;
	[sflag:s14] =	ssyncadd.s32 $0xFFFF6400  }
0x2a: {  	[spmem:s5] =	stream.linear.scatter @!p0 [tilespmem:s21], [sflag:$0x2], $0x800, $0x38;
	[tilespmem:$0x1FD80] =	vst v63  }
0x2b: {  	s21 =	simm.s32 @!p0 $0x2  }
0x2c: {  	_ =	swait.ge @!p0 [sflag:s21], $0x800  }
0x2d: {  	[sflag:s21] =	ssyncset.done @!p0 $0x0  }
0x2e: {  	[sflag:s21] =	ssyncadd.s32 @!p0 $0xFFFFF800  }
0x2f: {  	s30 =	sadd.s32 $0x0, s12;
	[bflag:$0x0] =	sbarrier.arrive $0xFFFF  }
0x30: {  	[tilespmem:s15], [sflag:$0x2] =	stream.linear.gather [hbm4b:s30+s4], $0x50, $0x38;
	[tilespmem:$0x1FD80] =	vst v63  }
0x31: {  	_ =	swait.ge [sflag:s14], $0x50  }
0x32: {  	[sflag:s14] =	ssyncset.done $0x0  }
0x33: {  	s31 =	sadd.s32 $0x0, s11;
	[sflag:s14] =	ssyncadd.s32 $0xFFFFFFB0  }
0x34: {  	[tilespmem:s16], [sflag:$0x2] =	stream.linear.gather [hbm4b:s31+s4], $0x50, $0x38;
	[tilespmem:$0x1FD80] =	vst v63  }
0x35: {  	_ =	swait.ge [sflag:s14], $0x50  }
0x36: {  	[sflag:s14] =	ssyncset.done $0x0  }
0x37: {  	[sflag:s14] =	ssyncadd.s32 $0xFFFFFFB0  }
0x38: {  	[tilespmem:s18], [sflag:$0x1] =	stream.indirect.gather [hbm4b:s0+s17], $0x80, s15, s17, $0xb8;
	[tilespmem:$0x1FD80] =	vst v63  }
0x39: {  	_ =	swait.ge [sflag:s19], $0x2800  }
0x3a: {  	[sflag:s19] =	ssyncset.done $0x0  }
0x3b: {  	[sflag:s19] =	ssyncadd.s32 $0xFFFFD800  }
0x3c: {  	[spmem:s2] =	stream.indirect.scatter.add.f32 [tilespmem:s18], [sflag:$0x2], $0x80, s16, s17, $0xb8;
	[tilespmem:$0x1FD80] =	vst v63  }
0x3d: {  	_ =	swait.ge [sflag:s14], $0x2800  }
0x3e: {  	s22 =	simm.s32 $0x14;
	s21 =	simm.s32 $0xA;
	[sflag:s14] =	ssyncset.done $0x0  }
.LBB2_4:
0x3f: {  	s23 =	sadd.s32 s21, s12  }
0x40: {  	[sflag:s14] =	ssyncadd.s32 $0xFFFFD800;
	s24 =	smov.u32 s22;
	s25 =	sadd.s32 $0xA, s22  }
0x41: {  	[tilespmem:s15], [sflag:$0x2] =	stream.linear.gather [hbm4b:s23+s4], $0x50, $0x38;
	[tilespmem:$0x1FD80] =	vst v63  }
0x42: {  	p1 =	sne.s32 s22, $0x4D8;
	_ =	swait.ge [sflag:s14], $0x50  }
0x43: {  	[sflag:s14] =	ssyncset.done $0x0  }
0x44: {  	s22 =	sadd.s32 s21, s11;
	s21 =	smov.u32 s24;
	[sflag:s14] =	ssyncadd.s32 $0xFFFFFFB0  }
0x45: {  	[tilespmem:s16], [sflag:$0x2] =	stream.linear.gather [hbm4b:s22+s4], $0x50, $0x38;
	[tilespmem:$0x1FD80] =	vst v63  }
0x46: {  	_ =	swait.ge [sflag:s14], $0x50  }
0x47: {  	[sflag:s14] =	ssyncset.done $0x0  }
0x48: {  	[sflag:s14] =	ssyncadd.s32 $0xFFFFFFB0  }
0x49: {  	[tilespmem:s18], [sflag:$0x1] =	stream.indirect.gather [hbm4b:s0+s17], $0x80, s15, s17, $0xb8;
	[tilespmem:$0x1FD80] =	vst v63  }
0x4a: {  	_ =	swait.ge [sflag:s19], $0x2800  }
.Ltmp1:
0x4b: {  	[sflag:s19] =	ssyncset.done $0x0;
	(pc) =	sbr.rel @p1 .LBB2_4-.Ltmp1, $4  }
0x4c: {  	[sflag:s19] =	ssyncadd.s32 $0xFFFFD800  }
0x4d: {  	[spmem:s2] =	stream.indirect.scatter.add.f32 [tilespmem:s18], [sflag:$0x2], $0x80, s16, s17, $0xb8;
	[tilespmem:$0x1FD80] =	vst v63  }
0x4e: {  	_ =	swait.ge [sflag:s14], $0x2800  }
0x4f: {  	s22 =	smov.u32 s25;
	[sflag:s14] =	ssyncset.done $0x0  }
0x50: {  	s22 =	sadd.s32 s21, s12;
	[sflag:s14] =	ssyncadd.s32 $0xFFFFD800  }
0x51: {  	[tilespmem:s15], [sflag:$0x2] =	stream.linear.gather [hbm4b:s22+s4], $0x50, $0x38;
	[tilespmem:$0x1FD80] =	vst v63  }
0x52: {  	_ =	swait.ge [sflag:s14], $0x50  }
0x53: {  	[sflag:s14] =	ssyncset.done $0x0  }
0x54: {  	s29 =	sadd.s32 s21, s11;
	[sflag:s14] =	ssyncadd.s32 $0xFFFFFFB0  }
0x55: {  	[tilespmem:s16], [sflag:$0x2] =	stream.linear.gather [hbm4b:s29+s4], $0x50, $0x38;
	[tilespmem:$0x1FD80] =	vst v63  }
0x56: {  	_ =	swait.ge [sflag:s14], $0x50  }
0x57: {  	[sflag:s14] =	ssyncset.done $0x0  }
0x58: {  	[sflag:s14] =	ssyncadd.s32 $0xFFFFFFB0  }
0x59: {  	[tilespmem:s18], [sflag:$0x1] =	stream.indirect.gather [hbm4b:s0+s17], $0x80, s15, s17, $0xb8;
	[tilespmem:$0x1FD80] =	vst v63  }
0x5a: {  	_ =	swait.ge [sflag:s19], $0x2800  }
0x5b: {  	[sflag:s19] =	ssyncset.done $0x0  }
0x5c: {  	[sflag:s19] =	ssyncadd.s32 $0xFFFFD800  }
0x5d: {  	[spmem:s2] =	stream.indirect.scatter.add.f32 [tilespmem:s18], [sflag:$0x2], $0x80, s16, s17, $0xb8;
	[tilespmem:$0x1FD80] =	vst v63  }
0x5e: {  	_ =	swait.ge [sflag:s14], $0x2800  }
0x5f: {  	[sflag:s14] =	ssyncset.done $0x0  }
0x60: {  	s30 =	sshll.u32 s3, $0x6;
	[sflag:s14] =	ssyncadd.s32 $0xFFFFD800  }
0x61: {  	s31 =	sshrl.u32 s7, $0x3;
	s21 =	sor.u32 $0x1C02, s30;
	[bflag:$0x0] =	sbarrier.arrive $0xFFFF  }
0x62: {  	[hbm:s6], [sflag:s21] =	dma.local [spmem:s31], $0x2700  }
0x63: {  	_ =	swait.ge [sflag:s14], $0x2700  }
0x64: {  	s20 =	sadd.s32 $0x1, s20;
	[sflag:s14] =	ssyncset.done $0x0  }
0x65: {  	s22 =	sshrl.u32 @!p0 s5, $0x3;
	p1 =	sne.s32 s20, s9;
	[sflag:s14] =	ssyncadd.s32 $0xFFFFD900  }
0x66: {  	[hbm:s8], [sflag:s21] =	dma.local @!p0 [spmem:s22], $0x100  }
.Ltmp2:
0x67: {  	_ = 	snop;
	(pc) =	sbr.rel @p1 .LBB2_1-.Ltmp2, $4  }
0x68: {  	s21 =	simm.s32 @!p0 $0x2  }
0x69: {  	_ =	swait.ge @!p0 [sflag:s21], $0x100  }
0x6a: {  	[sflag:s21] =	ssyncset.done @!p0 $0x0  }
0x6b: {  	[sflag:s21] =	ssyncadd.s32 @!p0 $0xFFFFFF00  }
0x6c: {  	_ =	sfence.sel $0x180000  }
0x6d: {  	[bflag:$0x0] =	sbarrier.arrive $0xFFFF  }
0x6e: {  	_ =	strace $0x9000004D  }
0x6f: {  	s0 =	sadd.s32 @!p0 $0x100000, s1;
	[bflag:$0x2] =	sbarrier.arrive $0xFFFF  }
0x70: {  	[sflag:s0] =	ssyncadd.tile.s32 @!p0 $0x1;
	_ =	shalt  }
.Lfunc_end2:
_tile_overlayer_lowered:
.L_overlay_start_2:
0x71: {  	(tag) =	ssettag $0x2  }
0x72: {  	s0 =	rddreg [dreg:$0x0];
	s2 =	stileid.u32  }
0x73: {  	s1 =	rddreg [dreg:$0x1];
	p0 =	sne.s32 s2, $0x0  }
0x74: {  	s3 =	rddreg [dreg:$0x2];
	[bflag:$0x3] =	sbarrier.arrive $0xFFFF;
	s2 =	simm.s32 @!p0 $0x1C02  }
0x75: {  	[timem:s3], [sflag:s2] =	dma.local @!p0 [hbm:s0], s1  }
0x76: {  	s0 =	simm.s32 @!p0 $0x2  }
0x77: {  	_ =	swait.ge @!p0 [sflag:s0], s1  }
0x78: {  	s1 =	ssub.s32 @!p0 $0x0, s1;
	[sflag:s0] =	ssyncset.done @!p0 $0x0  }
0x79: {  	[sflag:s0] =	ssyncadd.s32 @!p0 s1  }
0x7a: {  	[bflag:$0x3] =	sbarrier.arrive $0xFFFF  }
0x7b: {  	_ =	shalt  }

</sc_bundles>
